<compile_context>
chip_gen: v7x
topology: tpu7x:2x2x1
jax: 0.10.2.dev20260603
libtpu: 0.0.44.dev20260713+nightly
codegen_flags: <defaults>
</compile_context>

<pallas_src>
import functools

import jax
import jax.numpy as jnp
from jax import lax
from jax.experimental import pallas as pl
from jax.experimental.pallas import tpu as pltpu
from jax.experimental.pallas import tpu_sc as plsc

N = 100000
HALF = 64
D = 2 * HALF
C = 400
NBLK = N // C
NC = 2
NS = 16
NW = NC * NS
BPW = -(-NBLK // NW)
FULL = NBLK // NW
L = 16
GA = 208

_mesh = plsc.VectorSubcoreMesh(core_axis_name="c", subcore_axis_name="s")


@functools.partial(
    pl.kernel,
    out_type=jax.ShapeDtypeStruct((N, D), jnp.float32),
    mesh=_mesh,
    scratch_types=[
        pltpu.VMEM_SHARED((32, D), jnp.float32),
        pltpu.VMEM((BPW * C,), jnp.int32),
        pltpu.VMEM((BPW * C,), jnp.int32),
        pltpu.VMEM((BPW * C,), jnp.int32),
        pltpu.VMEM((C, D), jnp.float32),
        pltpu.VMEM((C, D), jnp.float32),
        pltpu.SemaphoreType.DMA,
        pltpu.SemaphoreType.DMA,
        pltpu.SemaphoreType.DMA,
        pltpu.SemaphoreType.DMA,
        pltpu.SemaphoreType.DMA,
    ],
)
def _sc_lookup(idx0_hbm, idx1_hbm, t_hbm, out_hbm,
               t_sp, i0_v, i1_v, ci_v, rr0, rr1,
               ssem, gsem, gsem2, wsem0, wsem1):
    sid = lax.axis_index("s")
    wid = sid * NC + lax.axis_index("c")

    @pl.when(sid == 0)
    def _():
        pltpu.sync_copy(t_hbm, t_sp)
    plsc.subcore_barrier()

    def stage(t, sem):
        b = wid + t * NW
        return [pltpu.async_copy(idx0_hbm.at[pl.ds(b * C, C)],
                                 i0_v.at[pl.ds(t * C, C)], sem),
                pltpu.async_copy(idx1_hbm.at[pl.ds(b * C, C)],
                                 i1_v.at[pl.ds(t * C, C)], sem)]

    first = stage(0, gsem2)
    stages = []
    for t in range(1, FULL):
        stages.extend(stage(t, ssem))

    t_tail = FULL
    b_tail = wid + t_tail * NW

    @pl.when(b_tail < NBLK)
    def _():
        for h in stage(t_tail, ssem):
            pass

    def compute_ci(t):
        def lane_body(k, _):
            s = pl.ds(t * C + k * L, L)
            a = jnp.clip(i0_v[s], 0, 3)
            b_ = jnp.clip(i1_v[s], 0, 7)
            ci_v[s] = a * 8 + b_
            return 0
        lax.fori_loop(0, C // L, lane_body, 0)

    bufs = (rr0, rr1)
    wsems = (wsem0, wsem1)
    wdesc = [None, None]

    def gather_write(t, b):
        p = t % 2
        if wdesc[p] is not None:
            for d in wdesc[p]:
                d.wait()
        pltpu.async_copy(t_sp.at[ci_v.at[pl.ds(t * C, GA)]],
                         bufs[p].at[pl.ds(0, GA)], gsem).wait()
        pltpu.async_copy(bufs[p].at[pl.ds(0, GA)],
                         out_hbm.at[pl.ds(b * C, GA), :], wsems[p])
        pltpu.async_copy(t_sp.at[ci_v.at[pl.ds(t * C + GA, C - GA)]],
                         bufs[p].at[pl.ds(GA, C - GA)], gsem2).wait()
        pltpu.async_copy(bufs[p].at[pl.ds(GA, C - GA)],
                         out_hbm.at[pl.ds(b * C + GA, C - GA), :], wsems[p])

    def wdescs(t, b):
        p = t % 2
        return [
            pltpu.make_async_copy(bufs[p].at[pl.ds(0, GA)],
                                  out_hbm.at[pl.ds(b * C, GA), :], wsems[p]),
            pltpu.make_async_copy(bufs[p].at[pl.ds(GA, C - GA)],
                                  out_hbm.at[pl.ds(b * C + GA, C - GA), :],
                                  wsems[p]),
        ]

    for h in first:
        h.wait()
    compute_ci(0)
    for t in range(FULL):
        b = wid + t * NW
        gather_write(t, b)
        if t == 0:
            for h in stages:
                h.wait()
            tail_drain = [
                pltpu.make_async_copy(idx0_hbm.at[pl.ds(b_tail * C, C)],
                                      i0_v.at[pl.ds(t_tail * C, C)], ssem),
                pltpu.make_async_copy(idx1_hbm.at[pl.ds(b_tail * C, C)],
                                      i1_v.at[pl.ds(t_tail * C, C)], ssem)]

            @pl.when(b_tail < NBLK)
            def _():
                for d in tail_drain:
                    d.wait()
        if t + 1 < FULL:
            compute_ci(t + 1)
        else:
            @pl.when(b_tail < NBLK)
            def _():
                compute_ci(t_tail)
        wdesc[t % 2] = wdescs(t, b)

    @pl.when(b_tail < NBLK)
    def _():
        gather_write(t_tail, b_tail)

    for d in wdesc[0] + wdesc[1]:
        d.wait()


def kernel(x, W0, W1):
    xi = x.astype(jnp.int32)
    idx0 = xi[:, 0]
    idx1 = xi[:, 1]
    t0 = jnp.broadcast_to(W0[:, None, :], (4, 8, HALF)).reshape(32, HALF)
    t1 = jnp.broadcast_to(W1[None, :, :], (4, 8, HALF)).reshape(32, HALF)
    T = jnp.concatenate([t0, t1], axis=1)
    return _sc_lookup(idx0, idx1, T)

# --- scband reference (transcript-rebuilt; emitter-appended) ---
"""Pipeline reference for scband-node-encoder-2f-62225486184589 (READ-ONLY COPY).

The authoritative reference and input builder live on the scoring server;
editing this copy changes nothing except your own understanding.
"""

import jax, jax.numpy as jnp
import numpy as np

FULL_NODE_FEATURE_DIMS = [4, 8]  # get_node_feature_dims_epfl(), first two used
EMB_DIM = 128
HALF = EMB_DIM // 2
N = 100000

def _xavier_uniform(key, shape):
    fan_in, fan_out = shape[0], shape[1]
    bound = float(np.sqrt(6.0 / (fan_in + fan_out)))
    return jax.random.uniform(key, shape, dtype=jnp.float32, minval=-bound, maxval=bound)

def setup_inputs(seed: int = 0) -> dict:
    key = jax.random.key(seed)
    k_x, k_w0, k_w1 = jax.random.split(key, 3)
    x = jax.random.randint(k_x, (N, 2), 0, 4, dtype=jnp.int64)
    W0 = _xavier_uniform(k_w0, (FULL_NODE_FEATURE_DIMS[0], HALF))
    W1 = _xavier_uniform(k_w1, (FULL_NODE_FEATURE_DIMS[1], HALF))
    return {"x": x, "W0": W0, "W1": W1}

def reference(x, W0, W1):
    # NodeEncoder_2f.forward: per-column embedding lookup, then concat along dim 1
    tables = [W0, W1]
    x_emb_list = []
    for i in range(x.shape[1]):
        x_emb_list.append(jnp.take(tables[i], x[:, i], axis=0))
    x_embedding = x_emb_list[0]
    for i in range(1, x.shape[1]):
        x_embedding = jnp.concatenate((x_embedding, x_emb_list[i]), axis=1)
    return x_embedding

if __name__ == "__main__":
    import jax
    _d = setup_inputs()
    print(jax.jit(kernel)(*tuple(_d.values())))

</pallas_src>

<mosaic_0001>
#map = affine_map<(d0, d1) -> (0)>
#map1 = affine_map<(d0, d1) -> (0, 0)>
module attributes {stable_mosaic.version = 14 : i64} {
  func.func @_sc_lookup(%arg0: i32, %arg1: i32, %arg2: memref<100000xi32, #tpu.memory_space<hbm>>, %arg3: memref<100000xi32, #tpu.memory_space<hbm>>, %arg4: memref<32x128xf32, #tpu.memory_space<hbm>>, %arg5: memref<100000x128xf32, #tpu.memory_space<hbm>>, %arg6: memref<32x128xf32, #tpu.memory_space<vmem_shared>>, %arg7: memref<3200xi32, #tpu.memory_space<vmem>>, %arg8: memref<3200xi32, #tpu.memory_space<vmem>>, %arg9: memref<3200xi32, #tpu.memory_space<vmem>>, %arg10: memref<400x128xf32, #tpu.memory_space<vmem>>, %arg11: memref<400x128xf32, #tpu.memory_space<vmem>>, %arg12: memref<!tpu.dma_semaphore, #tpu.memory_space<semaphore_mem>>, %arg13: memref<!tpu.dma_semaphore, #tpu.memory_space<semaphore_mem>>, %arg14: memref<!tpu.dma_semaphore, #tpu.memory_space<semaphore_mem>>, %arg15: memref<!tpu.dma_semaphore, #tpu.memory_space<semaphore_mem>>, %arg16: memref<!tpu.dma_semaphore, #tpu.memory_space<semaphore_mem>>) attributes {dimension_semantics = [#tpu.dimension_semantics<core_parallel>, #tpu.dimension_semantics<subcore_parallel>], iteration_bounds = array<i64: 2, 16>, scalar_prefetch = 0 : i64, scratch_operands = 11 : i64, tpu.core_type = #tpu.core_type<sc_vector_subcore>, window_params = [{transform_indices = #map}, {transform_indices = #map}, {transform_indices = #map1}, {transform_indices = #map1}]} {
    %mul3A = arith.constant 2 : i32
    %mul3A_0 = arith.muli %arg1, %mul3A : i32
    %add3A = arith.addi %mul3A_0, %arg0 : i32
    %eq3A = arith.constant 0 : i32
    %eq3A_1 = arith.cmpi eq, %arg1, %eq3A : i32
    %convert_element_type3A = arith.extui %eq3A_1 : i1 to i32
    %cond3A = arith.constant 0 : i32
    %cond3A_2 = arith.cmpi ne, %convert_element_type3A, %cond3A : i32
    scf.if %cond3A_2 {
      "tpu.region"() ({
        %run_scoped3A = tpu.sem_alloc : memref<!tpu.dma_semaphore, #tpu.memory_space<semaphore_mem>>
        tpu.enqueue_dma source(%arg4 : memref<32x128xf32, #tpu.memory_space<hbm>>) target(%arg6 : memref<32x128xf32, #tpu.memory_space<vmem_shared>>) target_semaphore(%run_scoped3A : memref<!tpu.dma_semaphore, #tpu.memory_space<semaphore_mem>>)
        tpu.wait_dma2 semaphore(%run_scoped3A : memref<!tpu.dma_semaphore, #tpu.memory_space<semaphore_mem>>) src(%arg4 : memref<32x128xf32, #tpu.memory_space<hbm>>) dst(%arg6 : memref<32x128xf32, #tpu.memory_space<vmem_shared>>)
        tpu.yield
      }) : () -> ()
    } else {
    }
    %barrier3A = arith.constant 0 : index
    tpu.barrier barrier_id(%barrier3A)
    %add3A_3 = arith.constant 0 : i32
    %add3A_4 = arith.addi %add3A, %add3A_3 : i32
    %mul3A_5 = arith.constant 400 : i32
    %mul3A_6 = arith.muli %add3A_4, %mul3A_5 : i32
    %dma_start3A = arith.constant 0 : i32
    %dma_start3A_7 = tpu.memref_slice %arg7[%dma_start3A] : memref<3200xi32, #tpu.memory_space<vmem>> -> memref<400xi32, #tpu.memory_space<vmem>>
    %dma_start3A_8 = tpu.memref_slice %arg2[%mul3A_6] : memref<100000xi32, #tpu.memory_space<hbm>> -> memref<400xi32, #tpu.memory_space<hbm>>
    %dma_start3A_9 = arith.constant 0 : i32
    %dma_start3A_10 = tpu.memref_slice %arg7[%dma_start3A_9] : memref<3200xi32, #tpu.memory_space<vmem>> -> memref<400xi32, #tpu.memory_space<vmem>>
    %dma_start3A_11 = tpu.memref_slice %arg2[%mul3A_6] : memref<100000xi32, #tpu.memory_space<hbm>> -> memref<400xi32, #tpu.memory_space<hbm>>
    tpu.enqueue_dma source(%dma_start3A_11 : memref<400xi32, #tpu.memory_space<hbm>>) target(%dma_start3A_10 : memref<400xi32, #tpu.memory_space<vmem>>) target_semaphore(%arg14 : memref<!tpu.dma_semaphore, #tpu.memory_space<semaphore_mem>>)
    %mul3A_12 = arith.constant 400 : i32
    %mul3A_13 = arith.muli %add3A_4, %mul3A_12 : i32
    %dma_start3A_14 = arith.constant 0 : i32
    %dma_start3A_15 = tpu.memref_slice %arg8[%dma_start3A_14] : memref<3200xi32, #tpu.memory_space<vmem>> -> memref<400xi32, #tpu.memory_space<vmem>>
    %dma_start3A_16 = tpu.memref_slice %arg3[%mul3A_13] : memref<100000xi32, #tpu.memory_space<hbm>> -> memref<400xi32, #tpu.memory_space<hbm>>
    %dma_start3A_17 = arith.constant 0 : i32
    %dma_start3A_18 = tpu.memref_slice %arg8[%dma_start3A_17] : memref<3200xi32, #tpu.memory_space<vmem>> -> memref<400xi32, #tpu.memory_space<vmem>>
    %dma_start3A_19 = tpu.memref_slice %arg3[%mul3A_13] : memref<100000xi32, #tpu.memory_space<hbm>> -> memref<400xi32, #tpu.memory_space<hbm>>
    tpu.enqueue_dma source(%dma_start3A_19 : memref<400xi32, #tpu.memory_space<hbm>>) target(%dma_start3A_18 : memref<400xi32, #tpu.memory_space<vmem>>) target_semaphore(%arg14 : memref<!tpu.dma_semaphore, #tpu.memory_space<semaphore_mem>>)
    %add3A_20 = arith.constant 32 : i32
    %add3A_21 = arith.addi %add3A, %add3A_20 : i32
    %mul3A_22 = arith.constant 400 : i32
    %mul3A_23 = arith.muli %add3A_21, %mul3A_22 : i32
    %dma_start3A_24 = arith.constant 400 : i32
    %dma_start3A_25 = tpu.memref_slice %arg7[%dma_start3A_24] : memref<3200xi32, #tpu.memory_space<vmem>> -> memref<400xi32, #tpu.memory_space<vmem>>
    %dma_start3A_26 = tpu.memref_slice %arg2[%mul3A_23] : memref<100000xi32, #tpu.memory_space<hbm>> -> memref<400xi32, #tpu.memory_space<hbm>>
    %dma_start3A_27 = arith.constant 400 : i32
    %dma_start3A_28 = tpu.memref_slice %arg7[%dma_start3A_27] : memref<3200xi32, #tpu.memory_space<vmem>> -> memref<400xi32, #tpu.memory_space<vmem>>
    %dma_start3A_29 = tpu.memref_slice %arg2[%mul3A_23] : memref<100000xi32, #tpu.memory_space<hbm>> -> memref<400xi32, #tpu.memory_space<hbm>>
    tpu.enqueue_dma source(%dma_start3A_29 : memref<400xi32, #tpu.memory_space<hbm>>) target(%dma_start3A_28 : memref<400xi32, #tpu.memory_space<vmem>>) target_semaphore(%arg12 : memref<!tpu.dma_semaphore, #tpu.memory_space<semaphore_mem>>)
    %mul3A_30 = arith.constant 400 : i32
    %mul3A_31 = arith.muli %add3A_21, %mul3A_30 : i32
    %dma_start3A_32 = arith.constant 400 : i32
    %dma_start3A_33 = tpu.memref_slice %arg8[%dma_start3A_32] : memref<3200xi32, #tpu.memory_space<vmem>> -> memref<400xi32, #tpu.memory_space<vmem>>
    %dma_start3A_34 = tpu.memref_slice %arg3[%mul3A_31] : memref<100000xi32, #tpu.memory_space<hbm>> -> memref<400xi32, #tpu.memory_space<hbm>>
    %dma_start3A_35 = arith.constant 400 : i32
    %dma_start3A_36 = tpu.memref_slice %arg8[%dma_start3A_35] : memref<3200xi32, #tpu.memory_space<vmem>> -> memref<400xi32, #tpu.memory_space<vmem>>
    %dma_start3A_37 = tpu.memref_slice %arg3[%mul3A_31] : memref<100000xi32, #tpu.memory_space<hbm>> -> memref<400xi32, #tpu.memory_space<hbm>>
    tpu.enqueue_dma source(%dma_start3A_37 : memref<400xi32, #tpu.memory_space<hbm>>) target(%dma_start3A_36 : memref<400xi32, #tpu.memory_space<vmem>>) target_semaphore(%arg12 : memref<!tpu.dma_semaphore, #tpu.memory_space<semaphore_mem>>)
    %add3A_38 = arith.constant 64 : i32
    %add3A_39 = arith.addi %add3A, %add3A_38 : i32
    %mul3A_40 = arith.constant 400 : i32
    %mul3A_41 = arith.muli %add3A_39, %mul3A_40 : i32
    %dma_start3A_42 = arith.constant 800 : i32
    %dma_start3A_43 = tpu.memref_slice %arg7[%dma_start3A_42] : memref<3200xi32, #tpu.memory_space<vmem>> -> memref<400xi32, #tpu.memory_space<vmem>>
    %dma_start3A_44 = tpu.memref_slice %arg2[%mul3A_41] : memref<100000xi32, #tpu.memory_space<hbm>> -> memref<400xi32, #tpu.memory_space<hbm>>
    %dma_start3A_45 = arith.constant 800 : i32
    %dma_start3A_46 = tpu.memref_slice %arg7[%dma_start3A_45] : memref<3200xi32, #tpu.memory_space<vmem>> -> memref<400xi32, #tpu.memory_space<vmem>>
    %dma_start3A_47 = tpu.memref_slice %arg2[%mul3A_41] : memref<100000xi32, #tpu.memory_space<hbm>> -> memref<400xi32, #tpu.memory_space<hbm>>
    tpu.enqueue_dma source(%dma_start3A_47 : memref<400xi32, #tpu.memory_space<hbm>>) target(%dma_start3A_46 : memref<400xi32, #tpu.memory_space<vmem>>) target_semaphore(%arg12 : memref<!tpu.dma_semaphore, #tpu.memory_space<semaphore_mem>>)
    %mul3A_48 = arith.constant 400 : i32
    %mul3A_49 = arith.muli %add3A_39, %mul3A_48 : i32
    %dma_start3A_50 = arith.constant 800 : i32
    %dma_start3A_51 = tpu.memref_slice %arg8[%dma_start3A_50] : memref<3200xi32, #tpu.memory_space<vmem>> -> memref<400xi32, #tpu.memory_space<vmem>>
    %dma_start3A_52 = tpu.memref_slice %arg3[%mul3A_49] : memref<100000xi32, #tpu.memory_space<hbm>> -> memref<400xi32, #tpu.memory_space<hbm>>
    %dma_start3A_53 = arith.constant 800 : i32
    %dma_start3A_54 = tpu.memref_slice %arg8[%dma_start3A_53] : memref<3200xi32, #tpu.memory_space<vmem>> -> memref<400xi32, #tpu.memory_space<vmem>>
    %dma_start3A_55 = tpu.memref_slice %arg3[%mul3A_49] : memref<100000xi32, #tpu.memory_space<hbm>> -> memref<400xi32, #tpu.memory_space<hbm>>
    tpu.enqueue_dma source(%dma_start3A_55 : memref<400xi32, #tpu.memory_space<hbm>>) target(%dma_start3A_54 : memref<400xi32, #tpu.memory_space<vmem>>) target_semaphore(%arg12 : memref<!tpu.dma_semaphore, #tpu.memory_space<semaphore_mem>>)
    %add3A_56 = arith.constant 96 : i32
    %add3A_57 = arith.addi %add3A, %add3A_56 : i32
    %mul3A_58 = arith.constant 400 : i32
    %mul3A_59 = arith.muli %add3A_57, %mul3A_58 : i32
    %dma_start3A_60 = arith.constant 1200 : i32
    %dma_start3A_61 = tpu.memref_slice %arg7[%dma_start3A_60] : memref<3200xi32, #tpu.memory_space<vmem>> -> memref<400xi32, #tpu.memory_space<vmem>>
    %dma_start3A_62 = tpu.memref_slice %arg2[%mul3A_59] : memref<100000xi32, #tpu.memory_space<hbm>> -> memref<400xi32, #tpu.memory_space<hbm>>
    %dma_start3A_63 = arith.constant 1200 : i32
    %dma_start3A_64 = tpu.memref_slice %arg7[%dma_start3A_63] : memref<3200xi32, #tpu.memory_space<vmem>> -> memref<400xi32, #tpu.memory_space<vmem>>
    %dma_start3A_65 = tpu.memref_slice %arg2[%mul3A_59] : memref<100000xi32, #tpu.memory_space<hbm>> -> memref<400xi32, #tpu.memory_space<hbm>>
    tpu.enqueue_dma source(%dma_start3A_65 : memref<400xi32, #tpu.memory_space<hbm>>) target(%dma_start3A_64 : memref<400xi32, #tpu.memory_space<vmem>>) target_semaphore(%arg12 : memref<!tpu.dma_semaphore, #tpu.memory_space<semaphore_mem>>)
    %mul3A_66 = arith.constant 400 : i32
    %mul3A_67 = arith.muli %add3A_57, %mul3A_66 : i32
    %dma_start3A_68 = arith.constant 1200 : i32
    %dma_start3A_69 = tpu.memref_slice %arg8[%dma_start3A_68] : memref<3200xi32, #tpu.memory_space<vmem>> -> memref<400xi32, #tpu.memory_space<vmem>>
    %dma_start3A_70 = tpu.memref_slice %arg3[%mul3A_67] : memref<100000xi32, #tpu.memory_space<hbm>> -> memref<400xi32, #tpu.memory_space<hbm>>
    %dma_start3A_71 = arith.constant 1200 : i32
    %dma_start3A_72 = tpu.memref_slice %arg8[%dma_start3A_71] : memref<3200xi32, #tpu.memory_space<vmem>> -> memref<400xi32, #tpu.memory_space<vmem>>
    %dma_start3A_73 = tpu.memref_slice %arg3[%mul3A_67] : memref<100000xi32, #tpu.memory_space<hbm>> -> memref<400xi32, #tpu.memory_space<hbm>>
    tpu.enqueue_dma source(%dma_start3A_73 : memref<400xi32, #tpu.memory_space<hbm>>) target(%dma_start3A_72 : memref<400xi32, #tpu.memory_space<vmem>>) target_semaphore(%arg12 : memref<!tpu.dma_semaphore, #tpu.memory_space<semaphore_mem>>)
    %add3A_74 = arith.constant 128 : i32
    %add3A_75 = arith.addi %add3A, %add3A_74 : i32
    %mul3A_76 = arith.constant 400 : i32
    %mul3A_77 = arith.muli %add3A_75, %mul3A_76 : i32
    %dma_start3A_78 = arith.constant 1600 : i32
    %dma_start3A_79 = tpu.memref_slice %arg7[%dma_start3A_78] : memref<3200xi32, #tpu.memory_space<vmem>> -> memref<400xi32, #tpu.memory_space<vmem>>
    %dma_start3A_80 = tpu.memref_slice %arg2[%mul3A_77] : memref<100000xi32, #tpu.memory_space<hbm>> -> memref<400xi32, #tpu.memory_space<hbm>>
    %dma_start3A_81 = arith.constant 1600 : i32
    %dma_start3A_82 = tpu.memref_slice %arg7[%dma_start3A_81] : memref<3200xi32, #tpu.memory_space<vmem>> -> memref<400xi32, #tpu.memory_space<vmem>>
    %dma_start3A_83 = tpu.memref_slice %arg2[%mul3A_77] : memref<100000xi32, #tpu.memory_space<hbm>> -> memref<400xi32, #tpu.memory_space<hbm>>
    tpu.enqueue_dma source(%dma_start3A_83 : memref<400xi32, #tpu.memory_space<hbm>>) target(%dma_start3A_82 : memref<400xi32, #tpu.memory_space<vmem>>) target_semaphore(%arg12 : memref<!tpu.dma_semaphore, #tpu.memory_space<semaphore_mem>>)
    %mul3A_84 = arith.constant 400 : i32
    %mul3A_85 = arith.muli %add3A_75, %mul3A_84 : i32
    %dma_start3A_86 = arith.constant 1600 : i32
    %dma_start3A_87 = tpu.memref_slice %arg8[%dma_start3A_86] : memref<3200xi32, #tpu.memory_space<vmem>> -> memref<400xi32, #tpu.memory_space<vmem>>
    %dma_start3A_88 = tpu.memref_slice %arg3[%mul3A_85] : memref<100000xi32, #tpu.memory_space<hbm>> -> memref<400xi32, #tpu.memory_space<hbm>>
    %dma_start3A_89 = arith.constant 1600 : i32
    %dma_start3A_90 = tpu.memref_slice %arg8[%dma_start3A_89] : memref<3200xi32, #tpu.memory_space<vmem>> -> memref<400xi32, #tpu.memory_space<vmem>>
    %dma_start3A_91 = tpu.memref_slice %arg3[%mul3A_85] : memref<100000xi32, #tpu.memory_space<hbm>> -> memref<400xi32, #tpu.memory_space<hbm>>
    tpu.enqueue_dma source(%dma_start3A_91 : memref<400xi32, #tpu.memory_space<hbm>>) target(%dma_start3A_90 : memref<400xi32, #tpu.memory_space<vmem>>) target_semaphore(%arg12 : memref<!tpu.dma_semaphore, #tpu.memory_space<semaphore_mem>>)
    %add3A_92 = arith.constant 160 : i32
    %add3A_93 = arith.addi %add3A, %add3A_92 : i32
    %mul3A_94 = arith.constant 400 : i32
    %mul3A_95 = arith.muli %add3A_93, %mul3A_94 : i32
    %dma_start3A_96 = arith.constant 2000 : i32
    %dma_start3A_97 = tpu.memref_slice %arg7[%dma_start3A_96] : memref<3200xi32, #tpu.memory_space<vmem>> -> memref<400xi32, #tpu.memory_space<vmem>>
    %dma_start3A_98 = tpu.memref_slice %arg2[%mul3A_95] : memref<100000xi32, #tpu.memory_space<hbm>> -> memref<400xi32, #tpu.memory_space<hbm>>
    %dma_start3A_99 = arith.constant 2000 : i32
    %dma_start3A_100 = tpu.memref_slice %arg7[%dma_start3A_99] : memref<3200xi32, #tpu.memory_space<vmem>> -> memref<400xi32, #tpu.memory_space<vmem>>
    %dma_start3A_101 = tpu.memref_slice %arg2[%mul3A_95] : memref<100000xi32, #tpu.memory_space<hbm>> -> memref<400xi32, #tpu.memory_space<hbm>>
    tpu.enqueue_dma source(%dma_start3A_101 : memref<400xi32, #tpu.memory_space<hbm>>) target(%dma_start3A_100 : memref<400xi32, #tpu.memory_space<vmem>>) target_semaphore(%arg12 : memref<!tpu.dma_semaphore, #tpu.memory_space<semaphore_mem>>)
    %mul3A_102 = arith.constant 400 : i32
    %mul3A_103 = arith.muli %add3A_93, %mul3A_102 : i32
    %dma_start3A_104 = arith.constant 2000 : i32
    %dma_start3A_105 = tpu.memref_slice %arg8[%dma_start3A_104] : memref<3200xi32, #tpu.memory_space<vmem>> -> memref<400xi32, #tpu.memory_space<vmem>>
    %dma_start3A_106 = tpu.memref_slice %arg3[%mul3A_103] : memref<100000xi32, #tpu.memory_space<hbm>> -> memref<400xi32, #tpu.memory_space<hbm>>
    %dma_start3A_107 = arith.constant 2000 : i32
    %dma_start3A_108 = tpu.memref_slice %arg8[%dma_start3A_107] : memref<3200xi32, #tpu.memory_space<vmem>> -> memref<400xi32, #tpu.memory_space<vmem>>
    %dma_start3A_109 = tpu.memref_slice %arg3[%mul3A_103] : memref<100000xi32, #tpu.memory_space<hbm>> -> memref<400xi32, #tpu.memory_space<hbm>>
    tpu.enqueue_dma source(%dma_start3A_109 : memref<400xi32, #tpu.memory_space<hbm>>) target(%dma_start3A_108 : memref<400xi32, #tpu.memory_space<vmem>>) target_semaphore(%arg12 : memref<!tpu.dma_semaphore, #tpu.memory_space<semaphore_mem>>)
    %add3A_110 = arith.constant 192 : i32
    %add3A_111 = arith.addi %add3A, %add3A_110 : i32
    %mul3A_112 = arith.constant 400 : i32
    %mul3A_113 = arith.muli %add3A_111, %mul3A_112 : i32
    %dma_start3A_114 = arith.constant 2400 : i32
    %dma_start3A_115 = tpu.memref_slice %arg7[%dma_start3A_114] : memref<3200xi32, #tpu.memory_space<vmem>> -> memref<400xi32, #tpu.memory_space<vmem>>
    %dma_start3A_116 = tpu.memref_slice %arg2[%mul3A_113] : memref<100000xi32, #tpu.memory_space<hbm>> -> memref<400xi32, #tpu.memory_space<hbm>>
    %dma_start3A_117 = arith.constant 2400 : i32
    %dma_start3A_118 = tpu.memref_slice %arg7[%dma_start3A_117] : memref<3200xi32, #tpu.memory_space<vmem>> -> memref<400xi32, #tpu.memory_space<vmem>>
    %dma_start3A_119 = tpu.memref_slice %arg2[%mul3A_113] : memref<100000xi32, #tpu.memory_space<hbm>> -> memref<400xi32, #tpu.memory_space<hbm>>
    tpu.enqueue_dma source(%dma_start3A_119 : memref<400xi32, #tpu.memory_space<hbm>>) target(%dma_start3A_118 : memref<400xi32, #tpu.memory_space<vmem>>) target_semaphore(%arg12 : memref<!tpu.dma_semaphore, #tpu.memory_space<semaphore_mem>>)
    %mul3A_120 = arith.constant 400 : i32
    %mul3A_121 = arith.muli %add3A_111, %mul3A_120 : i32
    %dma_start3A_122 = arith.constant 2400 : i32
    %dma_start3A_123 = tpu.memref_slice %arg8[%dma_start3A_122] : memref<3200xi32, #tpu.memory_space<vmem>> -> memref<400xi32, #tpu.memory_space<vmem>>
    %dma_start3A_124 = tpu.memref_slice %arg3[%mul3A_121] : memref<100000xi32, #tpu.memory_space<hbm>> -> memref<400xi32, #tpu.memory_space<hbm>>
    %dma_start3A_125 = arith.constant 2400 : i32
    %dma_start3A_126 = tpu.memref_slice %arg8[%dma_start3A_125] : memref<3200xi32, #tpu.memory_space<vmem>> -> memref<400xi32, #tpu.memory_space<vmem>>
    %dma_start3A_127 = tpu.memref_slice %arg3[%mul3A_121] : memref<100000xi32, #tpu.memory_space<hbm>> -> memref<400xi32, #tpu.memory_space<hbm>>
    tpu.enqueue_dma source(%dma_start3A_127 : memref<400xi32, #tpu.memory_space<hbm>>) target(%dma_start3A_126 : memref<400xi32, #tpu.memory_space<vmem>>) target_semaphore(%arg12 : memref<!tpu.dma_semaphore, #tpu.memory_space<semaphore_mem>>)
    %add3A_128 = arith.constant 224 : i32
    %add3A_129 = arith.addi %add3A, %add3A_128 : i32
    %lt3A = arith.constant 250 : i32
    %lt3A_130 = arith.cmpi slt, %add3A_129, %lt3A : i32
    %convert_element_type3A_131 = arith.extui %lt3A_130 : i1 to i32
    %cond3A_132 = arith.constant 0 : i32
    %cond3A_133 = arith.cmpi ne, %convert_element_type3A_131, %cond3A_132 : i32
    scf.if %cond3A_133 {
      %add3A_886 = arith.constant 224 : i32
      %add3A_887 = arith.addi %add3A, %add3A_886 : i32
      %mul3A_888 = arith.constant 400 : i32
      %mul3A_889 = arith.muli %add3A_887, %mul3A_888 : i32
      %dma_start3A_890 = arith.constant 2800 : i32
      %dma_start3A_891 = tpu.memref_slice %arg7[%dma_start3A_890] : memref<3200xi32, #tpu.memory_space<vmem>> -> memref<400xi32, #tpu.memory_space<vmem>>
      %dma_start3A_892 = tpu.memref_slice %arg2[%mul3A_889] : memref<100000xi32, #tpu.memory_space<hbm>> -> memref<400xi32, #tpu.memory_space<hbm>>
      %dma_start3A_893 = arith.constant 2800 : i32
      %dma_start3A_894 = tpu.memref_slice %arg7[%dma_start3A_893] : memref<3200xi32, #tpu.memory_space<vmem>> -> memref<400xi32, #tpu.memory_space<vmem>>
      %dma_start3A_895 = tpu.memref_slice %arg2[%mul3A_889] : memref<100000xi32, #tpu.memory_space<hbm>> -> memref<400xi32, #tpu.memory_space<hbm>>
      tpu.enqueue_dma source(%dma_start3A_895 : memref<400xi32, #tpu.memory_space<hbm>>) target(%dma_start3A_894 : memref<400xi32, #tpu.memory_space<vmem>>) target_semaphore(%arg12 : memref<!tpu.dma_semaphore, #tpu.memory_space<semaphore_mem>>)
      %mul3A_896 = arith.constant 400 : i32
      %mul3A_897 = arith.muli %add3A_887, %mul3A_896 : i32
      %dma_start3A_898 = arith.constant 2800 : i32
      %dma_start3A_899 = tpu.memref_slice %arg8[%dma_start3A_898] : memref<3200xi32, #tpu.memory_space<vmem>> -> memref<400xi32, #tpu.memory_space<vmem>>
      %dma_start3A_900 = tpu.memref_slice %arg3[%mul3A_897] : memref<100000xi32, #tpu.memory_space<hbm>> -> memref<400xi32, #tpu.memory_space<hbm>>
      %dma_start3A_901 = arith.constant 2800 : i32
      %dma_start3A_902 = tpu.memref_slice %arg8[%dma_start3A_901] : memref<3200xi32, #tpu.memory_space<vmem>> -> memref<400xi32, #tpu.memory_space<vmem>>
      %dma_start3A_903 = tpu.memref_slice %arg3[%mul3A_897] : memref<100000xi32, #tpu.memory_space<hbm>> -> memref<400xi32, #tpu.memory_space<hbm>>
      tpu.enqueue_dma source(%dma_start3A_903 : memref<400xi32, #tpu.memory_space<hbm>>) target(%dma_start3A_902 : memref<400xi32, #tpu.memory_space<vmem>>) target_semaphore(%arg12 : memref<!tpu.dma_semaphore, #tpu.memory_space<semaphore_mem>>)
    } else {
    }
    %dma_wait3A = arith.constant 0 : i32
    %dma_wait3A_134 = tpu.memref_slice %arg7[%dma_wait3A] : memref<3200xi32, #tpu.memory_space<vmem>> -> memref<400xi32, #tpu.memory_space<vmem>>
    %dma_wait3A_135 = tpu.memref_slice %arg2[%mul3A_6] : memref<100000xi32, #tpu.memory_space<hbm>> -> memref<400xi32, #tpu.memory_space<hbm>>
    %dma_wait3A_136 = arith.constant 0 : i32
    %dma_wait3A_137 = tpu.memref_slice %arg7[%dma_wait3A_136] : memref<3200xi32, #tpu.memory_space<vmem>> -> memref<400xi32, #tpu.memory_space<vmem>>
    %dma_wait3A_138 = tpu.memref_slice %arg2[%mul3A_6] : memref<100000xi32, #tpu.memory_space<hbm>> -> memref<400xi32, #tpu.memory_space<hbm>>
    tpu.wait_dma2 semaphore(%arg14 : memref<!tpu.dma_semaphore, #tpu.memory_space<semaphore_mem>>) src(%dma_wait3A_138 : memref<400xi32, #tpu.memory_space<hbm>>) dst(%dma_wait3A_137 : memref<400xi32, #tpu.memory_space<vmem>>)
    %dma_wait3A_139 = arith.constant 0 : i32
    %dma_wait3A_140 = tpu.memref_slice %arg8[%dma_wait3A_139] : memref<3200xi32, #tpu.memory_space<vmem>> -> memref<400xi32, #tpu.memory_space<vmem>>
    %dma_wait3A_141 = tpu.memref_slice %arg3[%mul3A_13] : memref<100000xi32, #tpu.memory_space<hbm>> -> memref<400xi32, #tpu.memory_space<hbm>>
    %dma_wait3A_142 = arith.constant 0 : i32
    %dma_wait3A_143 = tpu.memref_slice %arg8[%dma_wait3A_142] : memref<3200xi32, #tpu.memory_space<vmem>> -> memref<400xi32, #tpu.memory_space<vmem>>
    %dma_wait3A_144 = tpu.memref_slice %arg3[%mul3A_13] : memref<100000xi32, #tpu.memory_space<hbm>> -> memref<400xi32, #tpu.memory_space<hbm>>
    tpu.wait_dma2 semaphore(%arg14 : memref<!tpu.dma_semaphore, #tpu.memory_space<semaphore_mem>>) src(%dma_wait3A_144 : memref<400xi32, #tpu.memory_space<hbm>>) dst(%dma_wait3A_143 : memref<400xi32, #tpu.memory_space<vmem>>)
    %scan3A = arith.constant 0 : i32
    %scan3A_145 = arith.constant 0 : i32
    %scan3A_146 = arith.constant 25 : i32
    %scan3A_147 = arith.addi %scan3A_145, %scan3A_146 : i32
    %scan3A_148 = arith.constant 1 : i32
    %scan3A_149 = scf.for %scan3A_886 = %scan3A_145 to %scan3A_147 step %scan3A_148 iter_args(%scan3A_887 = %scan3A) -> (i32)  : i32 {
      %mul3A_888 = arith.constant 16 : i32
      %mul3A_889 = arith.muli %scan3A_886, %mul3A_888 : i32
      %add3A_890 = arith.constant 0 : i32
      %add3A_891 = arith.addi %add3A_890, %mul3A_889 : i32
      %get3A = arith.index_cast %add3A_891 : i32 to index
      %get3A_892 = tpu.vector_load %arg7[%get3A] {strides = array<i32>} : memref<3200xi32, #tpu.memory_space<vmem>>, vector<16xi32>,
      %get3A_893 = vector.shape_cast %get3A_892 : vector<16xi32> to vector<16xi32>
      %jit3A = arith.constant 0 : i32
      %jit3A_894 = arith.constant 3 : i32
      %max3A = vector.broadcast %jit3A : i32 to vector<16xi32>
      %max3A_895 = arith.maxsi %max3A, %get3A_893 : vector<16xi32>
      %min3A = vector.broadcast %jit3A_894 : i32 to vector<16xi32>
      %min3A_896 = arith.minsi %min3A, %max3A_895 : vector<16xi32>
      %get3A_897 = arith.index_cast %add3A_891 : i32 to index
      %get3A_898 = tpu.vector_load %arg8[%get3A_897] {strides = array<i32>} : memref<3200xi32, #tpu.memory_space<vmem>>, vector<16xi32>,
      %get3A_899 = vector.shape_cast %get3A_898 : vector<16xi32> to vector<16xi32>
      %jit3A_900 = arith.constant 0 : i32
      %jit3A_901 = arith.constant 7 : i32
      %max3A_902 = vector.broadcast %jit3A_900 : i32 to vector<16xi32>
      %max3A_903 = arith.maxsi %max3A_902, %get3A_899 : vector<16xi32>
      %min3A_904 = vector.broadcast %jit3A_901 : i32 to vector<16xi32>
      %min3A_905 = arith.minsi %min3A_904, %max3A_903 : vector<16xi32>
      %mul3A_906 = arith.constant 8 : i32
      %mul3A_907 = vector.broadcast %mul3A_906 : i32 to vector<16xi32>
      %mul3A_908 = arith.muli %min3A_896, %mul3A_907 : vector<16xi32>
      %add3A_909 = arith.addi %mul3A_908, %min3A_905 : vector<16xi32>
      %swap3A = arith.index_cast %add3A_891 : i32 to index
      %swap3A_910 = tpu.vector_load %arg9[%swap3A] {strides = array<i32>} : memref<3200xi32, #tpu.memory_space<vmem>>, vector<16xi32>,
      %swap3A_911 = vector.shape_cast %swap3A_910 : vector<16xi32> to vector<16xi32>
      %swap3A_912 = vector.shape_cast %add3A_909 : vector<16xi32> to vector<16xi32>
      tpu.vector_store %arg9[%swap3A], %swap3A_912 {strides = array<i32>} : memref<3200xi32, #tpu.memory_space<vmem>>, vector<16xi32>,
      %scan3A_913 = arith.constant 0 : i32
      scf.yield %scan3A_913 : i32
    }
    %scan3A_150 = arith.constant 25 : i32
    %add3A_151 = arith.constant 0 : i32
    %add3A_152 = arith.addi %add3A, %add3A_151 : i32
    %dma_start3A_153 = arith.constant 0 : i32
    %dma_start3A_154 = arith.constant 0 : i32
    %dma_start3A_155 = tpu.memref_slice %arg10[%dma_start3A_153, %dma_start3A_154] : memref<400x128xf32, #tpu.memory_space<vmem>> -> memref<208x128xf32, #tpu.memory_space<vmem>>
    %dma_start3A_156 = arith.constant 0 : i32
    %dma_start3A_157 = tpu.memref_slice %arg9[%dma_start3A_156] : memref<3200xi32, #tpu.memory_space<vmem>> -> memref<208xi32, #tpu.memory_space<vmem>>
    %dma_start3A_158 = arith.constant 0 : i32
    %dma_start3A_159 = arith.constant 0 : i32
    %dma_start3A_160 = tpu.memref_slice %arg6[%dma_start3A_158, %dma_start3A_159] : memref<32x128xf32, #tpu.memory_space<vmem_shared>> -> memref<32x128xf32, #tpu.memory_space<vmem_shared>>
    tpu.enqueue_indirect_dma source(%dma_start3A_160 : memref<32x128xf32, #tpu.memory_space<vmem_shared>>) target(%dma_start3A_155 : memref<208x128xf32, #tpu.memory_space<vmem>>) offsets(%dma_start3A_157 : memref<208xi32, #tpu.memory_space<vmem>>) semaphore(%arg13 : memref<!tpu.dma_semaphore, #tpu.memory_space<semaphore_mem>>)
    %dma_wait3A_161 = arith.constant 0 : i32
    %dma_wait3A_162 = arith.constant 0 : i32
    %dma_wait3A_163 = tpu.memref_slice %arg10[%dma_wait3A_161, %dma_wait3A_162] : memref<400x128xf32, #tpu.memory_space<vmem>> -> memref<208x128xf32, #tpu.memory_space<vmem>>
    %dma_wait3A_164 = arith.constant 0 : i32
    %dma_wait3A_165 = tpu.memref_slice %arg9[%dma_wait3A_164] : memref<3200xi32, #tpu.memory_space<vmem>> -> memref<208xi32, #tpu.memory_space<vmem>>
    %dma_wait3A_166 = arith.constant 0 : i32
    %dma_wait3A_167 = arith.constant 0 : i32
    %dma_wait3A_168 = tpu.memref_slice %arg6[%dma_wait3A_166, %dma_wait3A_167] : memref<32x128xf32, #tpu.memory_space<vmem_shared>> -> memref<32x128xf32, #tpu.memory_space<vmem_shared>>
    tpu.wait_indirect_dma semaphore(%arg13 : memref<!tpu.dma_semaphore, #tpu.memory_space<semaphore_mem>>) src(%dma_wait3A_168 : memref<32x128xf32, #tpu.memory_space<vmem_shared>>) dst(%dma_wait3A_163 : memref<208x128xf32, #tpu.memory_space<vmem>>)
    %mul3A_169 = arith.constant 400 : i32
    %mul3A_170 = arith.muli %add3A_152, %mul3A_169 : i32
    %dma_start3A_171 = arith.constant 0 : i32
    %dma_start3A_172 = arith.constant 0 : i32
    %dma_start3A_173 = tpu.memref_slice %arg10[%dma_start3A_171, %dma_start3A_172] : memref<400x128xf32, #tpu.memory_space<vmem>> -> memref<208x128xf32, #tpu.memory_space<vmem>>
    %dma_start3A_174 = arith.constant 0 : i32
    %dma_start3A_175 = tpu.memref_slice %arg5[%mul3A_170, %dma_start3A_174] : memref<100000x128xf32, #tpu.memory_space<hbm>> -> memref<208x128xf32, #tpu.memory_space<hbm>>
    %dma_start3A_176 = arith.constant 0 : i32
    %dma_start3A_177 = tpu.memref_slice %arg5[%mul3A_170, %dma_start3A_176] : memref<100000x128xf32, #tpu.memory_space<hbm>> -> memref<208x128xf32, #tpu.memory_space<hbm>>
    %dma_start3A_178 = arith.constant 0 : i32
    %dma_start3A_179 = arith.constant 0 : i32
    %dma_start3A_180 = tpu.memref_slice %arg10[%dma_start3A_178, %dma_start3A_179] : memref<400x128xf32, #tpu.memory_space<vmem>> -> memref<208x128xf32, #tpu.memory_space<vmem>>
    tpu.enqueue_dma source(%dma_start3A_180 : memref<208x128xf32, #tpu.memory_space<vmem>>) target(%dma_start3A_177 : memref<208x128xf32, #tpu.memory_space<hbm>>) target_semaphore(%arg15 : memref<!tpu.dma_semaphore, #tpu.memory_space<semaphore_mem>>)
    %dma_start3A_181 = arith.constant 208 : i32
    %dma_start3A_182 = arith.constant 0 : i32
    %dma_start3A_183 = tpu.memref_slice %arg10[%dma_start3A_181, %dma_start3A_182] : memref<400x128xf32, #tpu.memory_space<vmem>> -> memref<192x128xf32, #tpu.memory_space<vmem>>
    %dma_start3A_184 = arith.constant 208 : i32
    %dma_start3A_185 = tpu.memref_slice %arg9[%dma_start3A_184] : memref<3200xi32, #tpu.memory_space<vmem>> -> memref<192xi32, #tpu.memory_space<vmem>>
    %dma_start3A_186 = arith.constant 0 : i32
    %dma_start3A_187 = arith.constant 0 : i32
    %dma_start3A_188 = tpu.memref_slice %arg6[%dma_start3A_186, %dma_start3A_187] : memref<32x128xf32, #tpu.memory_space<vmem_shared>> -> memref<32x128xf32, #tpu.memory_space<vmem_shared>>
    tpu.enqueue_indirect_dma source(%dma_start3A_188 : memref<32x128xf32, #tpu.memory_space<vmem_shared>>) target(%dma_start3A_183 : memref<192x128xf32, #tpu.memory_space<vmem>>) offsets(%dma_start3A_185 : memref<192xi32, #tpu.memory_space<vmem>>) semaphore(%arg14 : memref<!tpu.dma_semaphore, #tpu.memory_space<semaphore_mem>>)
    %dma_wait3A_189 = arith.constant 208 : i32
    %dma_wait3A_190 = arith.constant 0 : i32
    %dma_wait3A_191 = tpu.memref_slice %arg10[%dma_wait3A_189, %dma_wait3A_190] : memref<400x128xf32, #tpu.memory_space<vmem>> -> memref<192x128xf32, #tpu.memory_space<vmem>>
    %dma_wait3A_192 = arith.constant 208 : i32
    %dma_wait3A_193 = tpu.memref_slice %arg9[%dma_wait3A_192] : memref<3200xi32, #tpu.memory_space<vmem>> -> memref<192xi32, #tpu.memory_space<vmem>>
    %dma_wait3A_194 = arith.constant 0 : i32
    %dma_wait3A_195 = arith.constant 0 : i32
    %dma_wait3A_196 = tpu.memref_slice %arg6[%dma_wait3A_194, %dma_wait3A_195] : memref<32x128xf32, #tpu.memory_space<vmem_shared>> -> memref<32x128xf32, #tpu.memory_space<vmem_shared>>
    tpu.wait_indirect_dma semaphore(%arg14 : memref<!tpu.dma_semaphore, #tpu.memory_space<semaphore_mem>>) src(%dma_wait3A_196 : memref<32x128xf32, #tpu.memory_space<vmem_shared>>) dst(%dma_wait3A_191 : memref<192x128xf32, #tpu.memory_space<vmem>>)
    %mul3A_197 = arith.constant 400 : i32
    %mul3A_198 = arith.muli %add3A_152, %mul3A_197 : i32
    %add3A_199 = arith.constant 208 : i32
    %add3A_200 = arith.addi %mul3A_198, %add3A_199 : i32
    %dma_start3A_201 = arith.constant 208 : i32
    %dma_start3A_202 = arith.constant 0 : i32
    %dma_start3A_203 = tpu.memref_slice %arg10[%dma_start3A_201, %dma_start3A_202] : memref<400x128xf32, #tpu.memory_space<vmem>> -> memref<192x128xf32, #tpu.memory_space<vmem>>
    %dma_start3A_204 = arith.constant 0 : i32
    %dma_start3A_205 = tpu.memref_slice %arg5[%add3A_200, %dma_start3A_204] : memref<100000x128xf32, #tpu.memory_space<hbm>> -> memref<192x128xf32, #tpu.memory_space<hbm>>
    %dma_start3A_206 = arith.constant 0 : i32
    %dma_start3A_207 = tpu.memref_slice %arg5[%add3A_200, %dma_start3A_206] : memref<100000x128xf32, #tpu.memory_space<hbm>> -> memref<192x128xf32, #tpu.memory_space<hbm>>
    %dma_start3A_208 = arith.constant 208 : i32
    %dma_start3A_209 = arith.constant 0 : i32
    %dma_start3A_210 = tpu.memref_slice %arg10[%dma_start3A_208, %dma_start3A_209] : memref<400x128xf32, #tpu.memory_space<vmem>> -> memref<192x128xf32, #tpu.memory_space<vmem>>
    tpu.enqueue_dma source(%dma_start3A_210 : memref<192x128xf32, #tpu.memory_space<vmem>>) target(%dma_start3A_207 : memref<192x128xf32, #tpu.memory_space<hbm>>) target_semaphore(%arg15 : memref<!tpu.dma_semaphore, #tpu.memory_space<semaphore_mem>>)
    %dma_wait3A_211 = arith.constant 400 : i32
    %dma_wait3A_212 = tpu.memref_slice %arg7[%dma_wait3A_211] : memref<3200xi32, #tpu.memory_space<vmem>> -> memref<400xi32, #tpu.memory_space<vmem>>
    %dma_wait3A_213 = tpu.memref_slice %arg2[%mul3A_23] : memref<100000xi32, #tpu.memory_space<hbm>> -> memref<400xi32, #tpu.memory_space<hbm>>
    %dma_wait3A_214 = arith.constant 400 : i32
    %dma_wait3A_215 = tpu.memref_slice %arg7[%dma_wait3A_214] : memref<3200xi32, #tpu.memory_space<vmem>> -> memref<400xi32, #tpu.memory_space<vmem>>
    %dma_wait3A_216 = tpu.memref_slice %arg2[%mul3A_23] : memref<100000xi32, #tpu.memory_space<hbm>> -> memref<400xi32, #tpu.memory_space<hbm>>
    tpu.wait_dma2 semaphore(%arg12 : memref<!tpu.dma_semaphore, #tpu.memory_space<semaphore_mem>>) src(%dma_wait3A_216 : memref<400xi32, #tpu.memory_space<hbm>>) dst(%dma_wait3A_215 : memref<400xi32, #tpu.memory_space<vmem>>)
    %dma_wait3A_217 = arith.constant 400 : i32
    %dma_wait3A_218 = tpu.memref_slice %arg8[%dma_wait3A_217] : memref<3200xi32, #tpu.memory_space<vmem>> -> memref<400xi32, #tpu.memory_space<vmem>>
    %dma_wait3A_219 = tpu.memref_slice %arg3[%mul3A_31] : memref<100000xi32, #tpu.memory_space<hbm>> -> memref<400xi32, #tpu.memory_space<hbm>>
    %dma_wait3A_220 = arith.constant 400 : i32
    %dma_wait3A_221 = tpu.memref_slice %arg8[%dma_wait3A_220] : memref<3200xi32, #tpu.memory_space<vmem>> -> memref<400xi32, #tpu.memory_space<vmem>>
    %dma_wait3A_222 = tpu.memref_slice %arg3[%mul3A_31] : memref<100000xi32, #tpu.memory_space<hbm>> -> memref<400xi32, #tpu.memory_space<hbm>>
    tpu.wait_dma2 semaphore(%arg12 : memref<!tpu.dma_semaphore, #tpu.memory_space<semaphore_mem>>) src(%dma_wait3A_222 : memref<400xi32, #tpu.memory_space<hbm>>) dst(%dma_wait3A_221 : memref<400xi32, #tpu.memory_space<vmem>>)
    %dma_wait3A_223 = arith.constant 800 : i32
    %dma_wait3A_224 = tpu.memref_slice %arg7[%dma_wait3A_223] : memref<3200xi32, #tpu.memory_space<vmem>> -> memref<400xi32, #tpu.memory_space<vmem>>
    %dma_wait3A_225 = tpu.memref_slice %arg2[%mul3A_41] : memref<100000xi32, #tpu.memory_space<hbm>> -> memref<400xi32, #tpu.memory_space<hbm>>
    %dma_wait3A_226 = arith.constant 800 : i32
    %dma_wait3A_227 = tpu.memref_slice %arg7[%dma_wait3A_226] : memref<3200xi32, #tpu.memory_space<vmem>> -> memref<400xi32, #tpu.memory_space<vmem>>
    %dma_wait3A_228 = tpu.memref_slice %arg2[%mul3A_41] : memref<100000xi32, #tpu.memory_space<hbm>> -> memref<400xi32, #tpu.memory_space<hbm>>
    tpu.wait_dma2 semaphore(%arg12 : memref<!tpu.dma_semaphore, #tpu.memory_space<semaphore_mem>>) src(%dma_wait3A_228 : memref<400xi32, #tpu.memory_space<hbm>>) dst(%dma_wait3A_227 : memref<400xi32, #tpu.memory_space<vmem>>)
    %dma_wait3A_229 = arith.constant 800 : i32
    %dma_wait3A_230 = tpu.memref_slice %arg8[%dma_wait3A_229] : memref<3200xi32, #tpu.memory_space<vmem>> -> memref<400xi32, #tpu.memory_space<vmem>>
    %dma_wait3A_231 = tpu.memref_slice %arg3[%mul3A_49] : memref<100000xi32, #tpu.memory_space<hbm>> -> memref<400xi32, #tpu.memory_space<hbm>>
    %dma_wait3A_232 = arith.constant 800 : i32
    %dma_wait3A_233 = tpu.memref_slice %arg8[%dma_wait3A_232] : memref<3200xi32, #tpu.memory_space<vmem>> -> memref<400xi32, #tpu.memory_space<vmem>>
    %dma_wait3A_234 = tpu.memref_slice %arg3[%mul3A_49] : memref<100000xi32, #tpu.memory_space<hbm>> -> memref<400xi32, #tpu.memory_space<hbm>>
    tpu.wait_dma2 semaphore(%arg12 : memref<!tpu.dma_semaphore, #tpu.memory_space<semaphore_mem>>) src(%dma_wait3A_234 : memref<400xi32, #tpu.memory_space<hbm>>) dst(%dma_wait3A_233 : memref<400xi32, #tpu.memory_space<vmem>>)
    %dma_wait3A_235 = arith.constant 1200 : i32
    %dma_wait3A_236 = tpu.memref_slice %arg7[%dma_wait3A_235] : memref<3200xi32, #tpu.memory_space<vmem>> -> memref<400xi32, #tpu.memory_space<vmem>>
    %dma_wait3A_237 = tpu.memref_slice %arg2[%mul3A_59] : memref<100000xi32, #tpu.memory_space<hbm>> -> memref<400xi32, #tpu.memory_space<hbm>>
    %dma_wait3A_238 = arith.constant 1200 : i32
    %dma_wait3A_239 = tpu.memref_slice %arg7[%dma_wait3A_238] : memref<3200xi32, #tpu.memory_space<vmem>> -> memref<400xi32, #tpu.memory_space<vmem>>
    %dma_wait3A_240 = tpu.memref_slice %arg2[%mul3A_59] : memref<100000xi32, #tpu.memory_space<hbm>> -> memref<400xi32, #tpu.memory_space<hbm>>
    tpu.wait_dma2 semaphore(%arg12 : memref<!tpu.dma_semaphore, #tpu.memory_space<semaphore_mem>>) src(%dma_wait3A_240 : memref<400xi32, #tpu.memory_space<hbm>>) dst(%dma_wait3A_239 : memref<400xi32, #tpu.memory_space<vmem>>)
    %dma_wait3A_241 = arith.constant 1200 : i32
    %dma_wait3A_242 = tpu.memref_slice %arg8[%dma_wait3A_241] : memref<3200xi32, #tpu.memory_space<vmem>> -> memref<400xi32, #tpu.memory_space<vmem>>
    %dma_wait3A_243 = tpu.memref_slice %arg3[%mul3A_67] : memref<100000xi32, #tpu.memory_space<hbm>> -> memref<400xi32, #tpu.memory_space<hbm>>
    %dma_wait3A_244 = arith.constant 1200 : i32
    %dma_wait3A_245 = tpu.memref_slice %arg8[%dma_wait3A_244] : memref<3200xi32, #tpu.memory_space<vmem>> -> memref<400xi32, #tpu.memory_space<vmem>>
    %dma_wait3A_246 = tpu.memref_slice %arg3[%mul3A_67] : memref<100000xi32, #tpu.memory_space<hbm>> -> memref<400xi32, #tpu.memory_space<hbm>>
    tpu.wait_dma2 semaphore(%arg12 : memref<!tpu.dma_semaphore, #tpu.memory_space<semaphore_mem>>) src(%dma_wait3A_246 : memref<400xi32, #tpu.memory_space<hbm>>) dst(%dma_wait3A_245 : memref<400xi32, #tpu.memory_space<vmem>>)
    %dma_wait3A_247 = arith.constant 1600 : i32
    %dma_wait3A_248 = tpu.memref_slice %arg7[%dma_wait3A_247] : memref<3200xi32, #tpu.memory_space<vmem>> -> memref<400xi32, #tpu.memory_space<vmem>>
    %dma_wait3A_249 = tpu.memref_slice %arg2[%mul3A_77] : memref<100000xi32, #tpu.memory_space<hbm>> -> memref<400xi32, #tpu.memory_space<hbm>>
    %dma_wait3A_250 = arith.constant 1600 : i32
    %dma_wait3A_251 = tpu.memref_slice %arg7[%dma_wait3A_250] : memref<3200xi32, #tpu.memory_space<vmem>> -> memref<400xi32, #tpu.memory_space<vmem>>
    %dma_wait3A_252 = tpu.memref_slice %arg2[%mul3A_77] : memref<100000xi32, #tpu.memory_space<hbm>> -> memref<400xi32, #tpu.memory_space<hbm>>
    tpu.wait_dma2 semaphore(%arg12 : memref<!tpu.dma_semaphore, #tpu.memory_space<semaphore_mem>>) src(%dma_wait3A_252 : memref<400xi32, #tpu.memory_space<hbm>>) dst(%dma_wait3A_251 : memref<400xi32, #tpu.memory_space<vmem>>)
    %dma_wait3A_253 = arith.constant 1600 : i32
    %dma_wait3A_254 = tpu.memref_slice %arg8[%dma_wait3A_253] : memref<3200xi32, #tpu.memory_space<vmem>> -> memref<400xi32, #tpu.memory_space<vmem>>
    %dma_wait3A_255 = tpu.memref_slice %arg3[%mul3A_85] : memref<100000xi32, #tpu.memory_space<hbm>> -> memref<400xi32, #tpu.memory_space<hbm>>
    %dma_wait3A_256 = arith.constant 1600 : i32
    %dma_wait3A_257 = tpu.memref_slice %arg8[%dma_wait3A_256] : memref<3200xi32, #tpu.memory_space<vmem>> -> memref<400xi32, #tpu.memory_space<vmem>>
    %dma_wait3A_258 = tpu.memref_slice %arg3[%mul3A_85] : memref<100000xi32, #tpu.memory_space<hbm>> -> memref<400xi32, #tpu.memory_space<hbm>>
    tpu.wait_dma2 semaphore(%arg12 : memref<!tpu.dma_semaphore, #tpu.memory_space<semaphore_mem>>) src(%dma_wait3A_258 : memref<400xi32, #tpu.memory_space<hbm>>) dst(%dma_wait3A_257 : memref<400xi32, #tpu.memory_space<vmem>>)
    %dma_wait3A_259 = arith.constant 2000 : i32
    %dma_wait3A_260 = tpu.memref_slice %arg7[%dma_wait3A_259] : memref<3200xi32, #tpu.memory_space<vmem>> -> memref<400xi32, #tpu.memory_space<vmem>>
    %dma_wait3A_261 = tpu.memref_slice %arg2[%mul3A_95] : memref<100000xi32, #tpu.memory_space<hbm>> -> memref<400xi32, #tpu.memory_space<hbm>>
    %dma_wait3A_262 = arith.constant 2000 : i32
    %dma_wait3A_263 = tpu.memref_slice %arg7[%dma_wait3A_262] : memref<3200xi32, #tpu.memory_space<vmem>> -> memref<400xi32, #tpu.memory_space<vmem>>
    %dma_wait3A_264 = tpu.memref_slice %arg2[%mul3A_95] : memref<100000xi32, #tpu.memory_space<hbm>> -> memref<400xi32, #tpu.memory_space<hbm>>
    tpu.wait_dma2 semaphore(%arg12 : memref<!tpu.dma_semaphore, #tpu.memory_space<semaphore_mem>>) src(%dma_wait3A_264 : memref<400xi32, #tpu.memory_space<hbm>>) dst(%dma_wait3A_263 : memref<400xi32, #tpu.memory_space<vmem>>)
    %dma_wait3A_265 = arith.constant 2000 : i32
    %dma_wait3A_266 = tpu.memref_slice %arg8[%dma_wait3A_265] : memref<3200xi32, #tpu.memory_space<vmem>> -> memref<400xi32, #tpu.memory_space<vmem>>
    %dma_wait3A_267 = tpu.memref_slice %arg3[%mul3A_103] : memref<100000xi32, #tpu.memory_space<hbm>> -> memref<400xi32, #tpu.memory_space<hbm>>
    %dma_wait3A_268 = arith.constant 2000 : i32
    %dma_wait3A_269 = tpu.memref_slice %arg8[%dma_wait3A_268] : memref<3200xi32, #tpu.memory_space<vmem>> -> memref<400xi32, #tpu.memory_space<vmem>>
    %dma_wait3A_270 = tpu.memref_slice %arg3[%mul3A_103] : memref<100000xi32, #tpu.memory_space<hbm>> -> memref<400xi32, #tpu.memory_space<hbm>>
    tpu.wait_dma2 semaphore(%arg12 : memref<!tpu.dma_semaphore, #tpu.memory_space<semaphore_mem>>) src(%dma_wait3A_270 : memref<400xi32, #tpu.memory_space<hbm>>) dst(%dma_wait3A_269 : memref<400xi32, #tpu.memory_space<vmem>>)
    %dma_wait3A_271 = arith.constant 2400 : i32
    %dma_wait3A_272 = tpu.memref_slice %arg7[%dma_wait3A_271] : memref<3200xi32, #tpu.memory_space<vmem>> -> memref<400xi32, #tpu.memory_space<vmem>>
    %dma_wait3A_273 = tpu.memref_slice %arg2[%mul3A_113] : memref<100000xi32, #tpu.memory_space<hbm>> -> memref<400xi32, #tpu.memory_space<hbm>>
    %dma_wait3A_274 = arith.constant 2400 : i32
    %dma_wait3A_275 = tpu.memref_slice %arg7[%dma_wait3A_274] : memref<3200xi32, #tpu.memory_space<vmem>> -> memref<400xi32, #tpu.memory_space<vmem>>
    %dma_wait3A_276 = tpu.memref_slice %arg2[%mul3A_113] : memref<100000xi32, #tpu.memory_space<hbm>> -> memref<400xi32, #tpu.memory_space<hbm>>
    tpu.wait_dma2 semaphore(%arg12 : memref<!tpu.dma_semaphore, #tpu.memory_space<semaphore_mem>>) src(%dma_wait3A_276 : memref<400xi32, #tpu.memory_space<hbm>>) dst(%dma_wait3A_275 : memref<400xi32, #tpu.memory_space<vmem>>)
    %dma_wait3A_277 = arith.constant 2400 : i32
    %dma_wait3A_278 = tpu.memref_slice %arg8[%dma_wait3A_277] : memref<3200xi32, #tpu.memory_space<vmem>> -> memref<400xi32, #tpu.memory_space<vmem>>
    %dma_wait3A_279 = tpu.memref_slice %arg3[%mul3A_121] : memref<100000xi32, #tpu.memory_space<hbm>> -> memref<400xi32, #tpu.memory_space<hbm>>
    %dma_wait3A_280 = arith.constant 2400 : i32
    %dma_wait3A_281 = tpu.memref_slice %arg8[%dma_wait3A_280] : memref<3200xi32, #tpu.memory_space<vmem>> -> memref<400xi32, #tpu.memory_space<vmem>>
    %dma_wait3A_282 = tpu.memref_slice %arg3[%mul3A_121] : memref<100000xi32, #tpu.memory_space<hbm>> -> memref<400xi32, #tpu.memory_space<hbm>>
    tpu.wait_dma2 semaphore(%arg12 : memref<!tpu.dma_semaphore, #tpu.memory_space<semaphore_mem>>) src(%dma_wait3A_282 : memref<400xi32, #tpu.memory_space<hbm>>) dst(%dma_wait3A_281 : memref<400xi32, #tpu.memory_space<vmem>>)
    %mul3A_283 = arith.constant 400 : i32
    %mul3A_284 = arith.muli %add3A_129, %mul3A_283 : i32
    %mul3A_285 = arith.constant 400 : i32
    %mul3A_286 = arith.muli %add3A_129, %mul3A_285 : i32
    %lt3A_287 = arith.constant 250 : i32
    %lt3A_288 = arith.cmpi slt, %add3A_129, %lt3A_287 : i32
    %convert_element_type3A_289 = arith.extui %lt3A_288 : i1 to i32
    %cond3A_290 = arith.constant 0 : i32
    %cond3A_291 = arith.cmpi ne, %convert_element_type3A_289, %cond3A_290 : i32
    scf.if %cond3A_291 {
      %dma_wait3A_886 = arith.constant 2800 : i32
      %dma_wait3A_887 = tpu.memref_slice %arg7[%dma_wait3A_886] : memref<3200xi32, #tpu.memory_space<vmem>> -> memref<400xi32, #tpu.memory_space<vmem>>
      %dma_wait3A_888 = tpu.memref_slice %arg2[%mul3A_284] : memref<100000xi32, #tpu.memory_space<hbm>> -> memref<400xi32, #tpu.memory_space<hbm>>
      %dma_wait3A_889 = arith.constant 2800 : i32
      %dma_wait3A_890 = tpu.memref_slice %arg7[%dma_wait3A_889] : memref<3200xi32, #tpu.memory_space<vmem>> -> memref<400xi32, #tpu.memory_space<vmem>>
      %dma_wait3A_891 = tpu.memref_slice %arg2[%mul3A_284] : memref<100000xi32, #tpu.memory_space<hbm>> -> memref<400xi32, #tpu.memory_space<hbm>>
      tpu.wait_dma2 semaphore(%arg12 : memref<!tpu.dma_semaphore, #tpu.memory_space<semaphore_mem>>) src(%dma_wait3A_891 : memref<400xi32, #tpu.memory_space<hbm>>) dst(%dma_wait3A_890 : memref<400xi32, #tpu.memory_space<vmem>>)
      %dma_wait3A_892 = arith.constant 2800 : i32
      %dma_wait3A_893 = tpu.memref_slice %arg8[%dma_wait3A_892] : memref<3200xi32, #tpu.memory_space<vmem>> -> memref<400xi32, #tpu.memory_space<vmem>>
      %dma_wait3A_894 = tpu.memref_slice %arg3[%mul3A_286] : memref<100000xi32, #tpu.memory_space<hbm>> -> memref<400xi32, #tpu.memory_space<hbm>>
      %dma_wait3A_895 = arith.constant 2800 : i32
      %dma_wait3A_896 = tpu.memref_slice %arg8[%dma_wait3A_895] : memref<3200xi32, #tpu.memory_space<vmem>> -> memref<400xi32, #tpu.memory_space<vmem>>
      %dma_wait3A_897 = tpu.memref_slice %arg3[%mul3A_286] : memref<100000xi32, #tpu.memory_space<hbm>> -> memref<400xi32, #tpu.memory_space<hbm>>
      tpu.wait_dma2 semaphore(%arg12 : memref<!tpu.dma_semaphore, #tpu.memory_space<semaphore_mem>>) src(%dma_wait3A_897 : memref<400xi32, #tpu.memory_space<hbm>>) dst(%dma_wait3A_896 : memref<400xi32, #tpu.memory_space<vmem>>)
    } else {
    }
    %scan3A_292 = arith.constant 0 : i32
    %scan3A_293 = arith.constant 0 : i32
    %scan3A_294 = arith.constant 25 : i32
    %scan3A_295 = arith.addi %scan3A_293, %scan3A_294 : i32
    %scan3A_296 = arith.constant 1 : i32
    %scan3A_297 = scf.for %scan3A_886 = %scan3A_293 to %scan3A_295 step %scan3A_296 iter_args(%scan3A_887 = %scan3A_292) -> (i32)  : i32 {
      %mul3A_888 = arith.constant 16 : i32
      %mul3A_889 = arith.muli %scan3A_886, %mul3A_888 : i32
      %add3A_890 = arith.constant 400 : i32
      %add3A_891 = arith.addi %add3A_890, %mul3A_889 : i32
      %get3A = arith.index_cast %add3A_891 : i32 to index
      %get3A_892 = tpu.vector_load %arg7[%get3A] {strides = array<i32>} : memref<3200xi32, #tpu.memory_space<vmem>>, vector<16xi32>,
      %get3A_893 = vector.shape_cast %get3A_892 : vector<16xi32> to vector<16xi32>
      %jit3A = arith.constant 0 : i32
      %jit3A_894 = arith.constant 3 : i32
      %max3A = vector.broadcast %jit3A : i32 to vector<16xi32>
      %max3A_895 = arith.maxsi %max3A, %get3A_893 : vector<16xi32>
      %min3A = vector.broadcast %jit3A_894 : i32 to vector<16xi32>
      %min3A_896 = arith.minsi %min3A, %max3A_895 : vector<16xi32>
      %get3A_897 = arith.index_cast %add3A_891 : i32 to index
      %get3A_898 = tpu.vector_load %arg8[%get3A_897] {strides = array<i32>} : memref<3200xi32, #tpu.memory_space<vmem>>, vector<16xi32>,
      %get3A_899 = vector.shape_cast %get3A_898 : vector<16xi32> to vector<16xi32>
      %jit3A_900 = arith.constant 0 : i32
      %jit3A_901 = arith.constant 7 : i32
      %max3A_902 = vector.broadcast %jit3A_900 : i32 to vector<16xi32>
      %max3A_903 = arith.maxsi %max3A_902, %get3A_899 : vector<16xi32>
      %min3A_904 = vector.broadcast %jit3A_901 : i32 to vector<16xi32>
      %min3A_905 = arith.minsi %min3A_904, %max3A_903 : vector<16xi32>
      %mul3A_906 = arith.constant 8 : i32
      %mul3A_907 = vector.broadcast %mul3A_906 : i32 to vector<16xi32>
      %mul3A_908 = arith.muli %min3A_896, %mul3A_907 : vector<16xi32>
      %add3A_909 = arith.addi %mul3A_908, %min3A_905 : vector<16xi32>
      %swap3A = arith.index_cast %add3A_891 : i32 to index
      %swap3A_910 = tpu.vector_load %arg9[%swap3A] {strides = array<i32>} : memref<3200xi32, #tpu.memory_space<vmem>>, vector<16xi32>,
      %swap3A_911 = vector.shape_cast %swap3A_910 : vector<16xi32> to vector<16xi32>
      %swap3A_912 = vector.shape_cast %add3A_909 : vector<16xi32> to vector<16xi32>
      tpu.vector_store %arg9[%swap3A], %swap3A_912 {strides = array<i32>} : memref<3200xi32, #tpu.memory_space<vmem>>, vector<16xi32>,
      %scan3A_913 = arith.constant 0 : i32
      scf.yield %scan3A_913 : i32
    }
    %scan3A_298 = arith.constant 25 : i32
    %mul3A_299 = arith.constant 400 : i32
    %mul3A_300 = arith.muli %add3A_152, %mul3A_299 : i32
    %mul3A_301 = arith.constant 400 : i32
    %mul3A_302 = arith.muli %add3A_152, %mul3A_301 : i32
    %add3A_303 = arith.constant 208 : i32
    %add3A_304 = arith.addi %mul3A_302, %add3A_303 : i32
    %add3A_305 = arith.constant 32 : i32
    %add3A_306 = arith.addi %add3A, %add3A_305 : i32
    %dma_start3A_307 = arith.constant 0 : i32
    %dma_start3A_308 = arith.constant 0 : i32
    %dma_start3A_309 = tpu.memref_slice %arg11[%dma_start3A_307, %dma_start3A_308] : memref<400x128xf32, #tpu.memory_space<vmem>> -> memref<208x128xf32, #tpu.memory_space<vmem>>
    %dma_start3A_310 = arith.constant 400 : i32
    %dma_start3A_311 = tpu.memref_slice %arg9[%dma_start3A_310] : memref<3200xi32, #tpu.memory_space<vmem>> -> memref<208xi32, #tpu.memory_space<vmem>>
    %dma_start3A_312 = arith.constant 0 : i32
    %dma_start3A_313 = arith.constant 0 : i32
    %dma_start3A_314 = tpu.memref_slice %arg6[%dma_start3A_312, %dma_start3A_313] : memref<32x128xf32, #tpu.memory_space<vmem_shared>> -> memref<32x128xf32, #tpu.memory_space<vmem_shared>>
    tpu.enqueue_indirect_dma source(%dma_start3A_314 : memref<32x128xf32, #tpu.memory_space<vmem_shared>>) target(%dma_start3A_309 : memref<208x128xf32, #tpu.memory_space<vmem>>) offsets(%dma_start3A_311 : memref<208xi32, #tpu.memory_space<vmem>>) semaphore(%arg13 : memref<!tpu.dma_semaphore, #tpu.memory_space<semaphore_mem>>)
    %dma_wait3A_315 = arith.constant 0 : i32
    %dma_wait3A_316 = arith.constant 0 : i32
    %dma_wait3A_317 = tpu.memref_slice %arg11[%dma_wait3A_315, %dma_wait3A_316] : memref<400x128xf32, #tpu.memory_space<vmem>> -> memref<208x128xf32, #tpu.memory_space<vmem>>
    %dma_wait3A_318 = arith.constant 400 : i32
    %dma_wait3A_319 = tpu.memref_slice %arg9[%dma_wait3A_318] : memref<3200xi32, #tpu.memory_space<vmem>> -> memref<208xi32, #tpu.memory_space<vmem>>
    %dma_wait3A_320 = arith.constant 0 : i32
    %dma_wait3A_321 = arith.constant 0 : i32
    %dma_wait3A_322 = tpu.memref_slice %arg6[%dma_wait3A_320, %dma_wait3A_321] : memref<32x128xf32, #tpu.memory_space<vmem_shared>> -> memref<32x128xf32, #tpu.memory_space<vmem_shared>>
    tpu.wait_indirect_dma semaphore(%arg13 : memref<!tpu.dma_semaphore, #tpu.memory_space<semaphore_mem>>) src(%dma_wait3A_322 : memref<32x128xf32, #tpu.memory_space<vmem_shared>>) dst(%dma_wait3A_317 : memref<208x128xf32, #tpu.memory_space<vmem>>)
    %mul3A_323 = arith.constant 400 : i32
    %mul3A_324 = arith.muli %add3A_306, %mul3A_323 : i32
    %dma_start3A_325 = arith.constant 0 : i32
    %dma_start3A_326 = arith.constant 0 : i32
    %dma_start3A_327 = tpu.memref_slice %arg11[%dma_start3A_325, %dma_start3A_326] : memref<400x128xf32, #tpu.memory_space<vmem>> -> memref<208x128xf32, #tpu.memory_space<vmem>>
    %dma_start3A_328 = arith.constant 0 : i32
    %dma_start3A_329 = tpu.memref_slice %arg5[%mul3A_324, %dma_start3A_328] : memref<100000x128xf32, #tpu.memory_space<hbm>> -> memref<208x128xf32, #tpu.memory_space<hbm>>
    %dma_start3A_330 = arith.constant 0 : i32
    %dma_start3A_331 = tpu.memref_slice %arg5[%mul3A_324, %dma_start3A_330] : memref<100000x128xf32, #tpu.memory_space<hbm>> -> memref<208x128xf32, #tpu.memory_space<hbm>>
    %dma_start3A_332 = arith.constant 0 : i32
    %dma_start3A_333 = arith.constant 0 : i32
    %dma_start3A_334 = tpu.memref_slice %arg11[%dma_start3A_332, %dma_start3A_333] : memref<400x128xf32, #tpu.memory_space<vmem>> -> memref<208x128xf32, #tpu.memory_space<vmem>>
    tpu.enqueue_dma source(%dma_start3A_334 : memref<208x128xf32, #tpu.memory_space<vmem>>) target(%dma_start3A_331 : memref<208x128xf32, #tpu.memory_space<hbm>>) target_semaphore(%arg16 : memref<!tpu.dma_semaphore, #tpu.memory_space<semaphore_mem>>)
    %dma_start3A_335 = arith.constant 208 : i32
    %dma_start3A_336 = arith.constant 0 : i32
    %dma_start3A_337 = tpu.memref_slice %arg11[%dma_start3A_335, %dma_start3A_336] : memref<400x128xf32, #tpu.memory_space<vmem>> -> memref<192x128xf32, #tpu.memory_space<vmem>>
    %dma_start3A_338 = arith.constant 608 : i32
    %dma_start3A_339 = tpu.memref_slice %arg9[%dma_start3A_338] : memref<3200xi32, #tpu.memory_space<vmem>> -> memref<192xi32, #tpu.memory_space<vmem>>
    %dma_start3A_340 = arith.constant 0 : i32
    %dma_start3A_341 = arith.constant 0 : i32
    %dma_start3A_342 = tpu.memref_slice %arg6[%dma_start3A_340, %dma_start3A_341] : memref<32x128xf32, #tpu.memory_space<vmem_shared>> -> memref<32x128xf32, #tpu.memory_space<vmem_shared>>
    tpu.enqueue_indirect_dma source(%dma_start3A_342 : memref<32x128xf32, #tpu.memory_space<vmem_shared>>) target(%dma_start3A_337 : memref<192x128xf32, #tpu.memory_space<vmem>>) offsets(%dma_start3A_339 : memref<192xi32, #tpu.memory_space<vmem>>) semaphore(%arg14 : memref<!tpu.dma_semaphore, #tpu.memory_space<semaphore_mem>>)
    %dma_wait3A_343 = arith.constant 208 : i32
    %dma_wait3A_344 = arith.constant 0 : i32
    %dma_wait3A_345 = tpu.memref_slice %arg11[%dma_wait3A_343, %dma_wait3A_344] : memref<400x128xf32, #tpu.memory_space<vmem>> -> memref<192x128xf32, #tpu.memory_space<vmem>>
    %dma_wait3A_346 = arith.constant 608 : i32
    %dma_wait3A_347 = tpu.memref_slice %arg9[%dma_wait3A_346] : memref<3200xi32, #tpu.memory_space<vmem>> -> memref<192xi32, #tpu.memory_space<vmem>>
    %dma_wait3A_348 = arith.constant 0 : i32
    %dma_wait3A_349 = arith.constant 0 : i32
    %dma_wait3A_350 = tpu.memref_slice %arg6[%dma_wait3A_348, %dma_wait3A_349] : memref<32x128xf32, #tpu.memory_space<vmem_shared>> -> memref<32x128xf32, #tpu.memory_space<vmem_shared>>
    tpu.wait_indirect_dma semaphore(%arg14 : memref<!tpu.dma_semaphore, #tpu.memory_space<semaphore_mem>>) src(%dma_wait3A_350 : memref<32x128xf32, #tpu.memory_space<vmem_shared>>) dst(%dma_wait3A_345 : memref<192x128xf32, #tpu.memory_space<vmem>>)
    %mul3A_351 = arith.constant 400 : i32
    %mul3A_352 = arith.muli %add3A_306, %mul3A_351 : i32
    %add3A_353 = arith.constant 208 : i32
    %add3A_354 = arith.addi %mul3A_352, %add3A_353 : i32
    %dma_start3A_355 = arith.constant 208 : i32
    %dma_start3A_356 = arith.constant 0 : i32
    %dma_start3A_357 = tpu.memref_slice %arg11[%dma_start3A_355, %dma_start3A_356] : memref<400x128xf32, #tpu.memory_space<vmem>> -> memref<192x128xf32, #tpu.memory_space<vmem>>
    %dma_start3A_358 = arith.constant 0 : i32
    %dma_start3A_359 = tpu.memref_slice %arg5[%add3A_354, %dma_start3A_358] : memref<100000x128xf32, #tpu.memory_space<hbm>> -> memref<192x128xf32, #tpu.memory_space<hbm>>
    %dma_start3A_360 = arith.constant 0 : i32
    %dma_start3A_361 = tpu.memref_slice %arg5[%add3A_354, %dma_start3A_360] : memref<100000x128xf32, #tpu.memory_space<hbm>> -> memref<192x128xf32, #tpu.memory_space<hbm>>
    %dma_start3A_362 = arith.constant 208 : i32
    %dma_start3A_363 = arith.constant 0 : i32
    %dma_start3A_364 = tpu.memref_slice %arg11[%dma_start3A_362, %dma_start3A_363] : memref<400x128xf32, #tpu.memory_space<vmem>> -> memref<192x128xf32, #tpu.memory_space<vmem>>
    tpu.enqueue_dma source(%dma_start3A_364 : memref<192x128xf32, #tpu.memory_space<vmem>>) target(%dma_start3A_361 : memref<192x128xf32, #tpu.memory_space<hbm>>) target_semaphore(%arg16 : memref<!tpu.dma_semaphore, #tpu.memory_space<semaphore_mem>>)
    %scan3A_365 = arith.constant 0 : i32
    %scan3A_366 = arith.constant 0 : i32
    %scan3A_367 = arith.constant 25 : i32
    %scan3A_368 = arith.addi %scan3A_366, %scan3A_367 : i32
    %scan3A_369 = arith.constant 1 : i32
    %scan3A_370 = scf.for %scan3A_886 = %scan3A_366 to %scan3A_368 step %scan3A_369 iter_args(%scan3A_887 = %scan3A_365) -> (i32)  : i32 {
      %mul3A_888 = arith.constant 16 : i32
      %mul3A_889 = arith.muli %scan3A_886, %mul3A_888 : i32
      %add3A_890 = arith.constant 800 : i32
      %add3A_891 = arith.addi %add3A_890, %mul3A_889 : i32
      %get3A = arith.index_cast %add3A_891 : i32 to index
      %get3A_892 = tpu.vector_load %arg7[%get3A] {strides = array<i32>} : memref<3200xi32, #tpu.memory_space<vmem>>, vector<16xi32>,
      %get3A_893 = vector.shape_cast %get3A_892 : vector<16xi32> to vector<16xi32>
      %jit3A = arith.constant 0 : i32
      %jit3A_894 = arith.constant 3 : i32
      %max3A = vector.broadcast %jit3A : i32 to vector<16xi32>
      %max3A_895 = arith.maxsi %max3A, %get3A_893 : vector<16xi32>
      %min3A = vector.broadcast %jit3A_894 : i32 to vector<16xi32>
      %min3A_896 = arith.minsi %min3A, %max3A_895 : vector<16xi32>
      %get3A_897 = arith.index_cast %add3A_891 : i32 to index
      %get3A_898 = tpu.vector_load %arg8[%get3A_897] {strides = array<i32>} : memref<3200xi32, #tpu.memory_space<vmem>>, vector<16xi32>,
      %get3A_899 = vector.shape_cast %get3A_898 : vector<16xi32> to vector<16xi32>
      %jit3A_900 = arith.constant 0 : i32
      %jit3A_901 = arith.constant 7 : i32
      %max3A_902 = vector.broadcast %jit3A_900 : i32 to vector<16xi32>
      %max3A_903 = arith.maxsi %max3A_902, %get3A_899 : vector<16xi32>
      %min3A_904 = vector.broadcast %jit3A_901 : i32 to vector<16xi32>
      %min3A_905 = arith.minsi %min3A_904, %max3A_903 : vector<16xi32>
      %mul3A_906 = arith.constant 8 : i32
      %mul3A_907 = vector.broadcast %mul3A_906 : i32 to vector<16xi32>
      %mul3A_908 = arith.muli %min3A_896, %mul3A_907 : vector<16xi32>
      %add3A_909 = arith.addi %mul3A_908, %min3A_905 : vector<16xi32>
      %swap3A = arith.index_cast %add3A_891 : i32 to index
      %swap3A_910 = tpu.vector_load %arg9[%swap3A] {strides = array<i32>} : memref<3200xi32, #tpu.memory_space<vmem>>, vector<16xi32>,
      %swap3A_911 = vector.shape_cast %swap3A_910 : vector<16xi32> to vector<16xi32>
      %swap3A_912 = vector.shape_cast %add3A_909 : vector<16xi32> to vector<16xi32>
      tpu.vector_store %arg9[%swap3A], %swap3A_912 {strides = array<i32>} : memref<3200xi32, #tpu.memory_space<vmem>>, vector<16xi32>,
      %scan3A_913 = arith.constant 0 : i32
      scf.yield %scan3A_913 : i32
    }
    %scan3A_371 = arith.constant 25 : i32
    %mul3A_372 = arith.constant 400 : i32
    %mul3A_373 = arith.muli %add3A_306, %mul3A_372 : i32
    %mul3A_374 = arith.constant 400 : i32
    %mul3A_375 = arith.muli %add3A_306, %mul3A_374 : i32
    %add3A_376 = arith.constant 208 : i32
    %add3A_377 = arith.addi %mul3A_375, %add3A_376 : i32
    %add3A_378 = arith.constant 64 : i32
    %add3A_379 = arith.addi %add3A, %add3A_378 : i32
    %dma_wait3A_380 = arith.constant 0 : i32
    %dma_wait3A_381 = arith.constant 0 : i32
    %dma_wait3A_382 = tpu.memref_slice %arg10[%dma_wait3A_380, %dma_wait3A_381] : memref<400x128xf32, #tpu.memory_space<vmem>> -> memref<208x128xf32, #tpu.memory_space<vmem>>
    %dma_wait3A_383 = arith.constant 0 : i32
    %dma_wait3A_384 = tpu.memref_slice %arg5[%mul3A_300, %dma_wait3A_383] : memref<100000x128xf32, #tpu.memory_space<hbm>> -> memref<208x128xf32, #tpu.memory_space<hbm>>
    %dma_wait3A_385 = arith.constant 0 : i32
    %dma_wait3A_386 = tpu.memref_slice %arg5[%mul3A_300, %dma_wait3A_385] : memref<100000x128xf32, #tpu.memory_space<hbm>> -> memref<208x128xf32, #tpu.memory_space<hbm>>
    %dma_wait3A_387 = arith.constant 0 : i32
    %dma_wait3A_388 = arith.constant 0 : i32
    %dma_wait3A_389 = tpu.memref_slice %arg10[%dma_wait3A_387, %dma_wait3A_388] : memref<400x128xf32, #tpu.memory_space<vmem>> -> memref<208x128xf32, #tpu.memory_space<vmem>>
    tpu.wait_dma2 semaphore(%arg15 : memref<!tpu.dma_semaphore, #tpu.memory_space<semaphore_mem>>) src(%dma_wait3A_389 : memref<208x128xf32, #tpu.memory_space<vmem>>) dst(%dma_wait3A_386 : memref<208x128xf32, #tpu.memory_space<hbm>>)
    %dma_wait3A_390 = arith.constant 208 : i32
    %dma_wait3A_391 = arith.constant 0 : i32
    %dma_wait3A_392 = tpu.memref_slice %arg10[%dma_wait3A_390, %dma_wait3A_391] : memref<400x128xf32, #tpu.memory_space<vmem>> -> memref<192x128xf32, #tpu.memory_space<vmem>>
    %dma_wait3A_393 = arith.constant 0 : i32
    %dma_wait3A_394 = tpu.memref_slice %arg5[%add3A_304, %dma_wait3A_393] : memref<100000x128xf32, #tpu.memory_space<hbm>> -> memref<192x128xf32, #tpu.memory_space<hbm>>
    %dma_wait3A_395 = arith.constant 0 : i32
    %dma_wait3A_396 = tpu.memref_slice %arg5[%add3A_304, %dma_wait3A_395] : memref<100000x128xf32, #tpu.memory_space<hbm>> -> memref<192x128xf32, #tpu.memory_space<hbm>>
    %dma_wait3A_397 = arith.constant 208 : i32
    %dma_wait3A_398 = arith.constant 0 : i32
    %dma_wait3A_399 = tpu.memref_slice %arg10[%dma_wait3A_397, %dma_wait3A_398] : memref<400x128xf32, #tpu.memory_space<vmem>> -> memref<192x128xf32, #tpu.memory_space<vmem>>
    tpu.wait_dma2 semaphore(%arg15 : memref<!tpu.dma_semaphore, #tpu.memory_space<semaphore_mem>>) src(%dma_wait3A_399 : memref<192x128xf32, #tpu.memory_space<vmem>>) dst(%dma_wait3A_396 : memref<192x128xf32, #tpu.memory_space<hbm>>)
    %dma_start3A_400 = arith.constant 0 : i32
    %dma_start3A_401 = arith.constant 0 : i32
    %dma_start3A_402 = tpu.memref_slice %arg10[%dma_start3A_400, %dma_start3A_401] : memref<400x128xf32, #tpu.memory_space<vmem>> -> memref<208x128xf32, #tpu.memory_space<vmem>>
    %dma_start3A_403 = arith.constant 800 : i32
    %dma_start3A_404 = tpu.memref_slice %arg9[%dma_start3A_403] : memref<3200xi32, #tpu.memory_space<vmem>> -> memref<208xi32, #tpu.memory_space<vmem>>
    %dma_start3A_405 = arith.constant 0 : i32
    %dma_start3A_406 = arith.constant 0 : i32
    %dma_start3A_407 = tpu.memref_slice %arg6[%dma_start3A_405, %dma_start3A_406] : memref<32x128xf32, #tpu.memory_space<vmem_shared>> -> memref<32x128xf32, #tpu.memory_space<vmem_shared>>
    tpu.enqueue_indirect_dma source(%dma_start3A_407 : memref<32x128xf32, #tpu.memory_space<vmem_shared>>) target(%dma_start3A_402 : memref<208x128xf32, #tpu.memory_space<vmem>>) offsets(%dma_start3A_404 : memref<208xi32, #tpu.memory_space<vmem>>) semaphore(%arg13 : memref<!tpu.dma_semaphore, #tpu.memory_space<semaphore_mem>>)
    %dma_wait3A_408 = arith.constant 0 : i32
    %dma_wait3A_409 = arith.constant 0 : i32
    %dma_wait3A_410 = tpu.memref_slice %arg10[%dma_wait3A_408, %dma_wait3A_409] : memref<400x128xf32, #tpu.memory_space<vmem>> -> memref<208x128xf32, #tpu.memory_space<vmem>>
    %dma_wait3A_411 = arith.constant 800 : i32
    %dma_wait3A_412 = tpu.memref_slice %arg9[%dma_wait3A_411] : memref<3200xi32, #tpu.memory_space<vmem>> -> memref<208xi32, #tpu.memory_space<vmem>>
    %dma_wait3A_413 = arith.constant 0 : i32
    %dma_wait3A_414 = arith.constant 0 : i32
    %dma_wait3A_415 = tpu.memref_slice %arg6[%dma_wait3A_413, %dma_wait3A_414] : memref<32x128xf32, #tpu.memory_space<vmem_shared>> -> memref<32x128xf32, #tpu.memory_space<vmem_shared>>
    tpu.wait_indirect_dma semaphore(%arg13 : memref<!tpu.dma_semaphore, #tpu.memory_space<semaphore_mem>>) src(%dma_wait3A_415 : memref<32x128xf32, #tpu.memory_space<vmem_shared>>) dst(%dma_wait3A_410 : memref<208x128xf32, #tpu.memory_space<vmem>>)
    %mul3A_416 = arith.constant 400 : i32
    %mul3A_417 = arith.muli %add3A_379, %mul3A_416 : i32
    %dma_start3A_418 = arith.constant 0 : i32
    %dma_start3A_419 = arith.constant 0 : i32
    %dma_start3A_420 = tpu.memref_slice %arg10[%dma_start3A_418, %dma_start3A_419] : memref<400x128xf32, #tpu.memory_space<vmem>> -> memref<208x128xf32, #tpu.memory_space<vmem>>
    %dma_start3A_421 = arith.constant 0 : i32
    %dma_start3A_422 = tpu.memref_slice %arg5[%mul3A_417, %dma_start3A_421] : memref<100000x128xf32, #tpu.memory_space<hbm>> -> memref<208x128xf32, #tpu.memory_space<hbm>>
    %dma_start3A_423 = arith.constant 0 : i32
    %dma_start3A_424 = tpu.memref_slice %arg5[%mul3A_417, %dma_start3A_423] : memref<100000x128xf32, #tpu.memory_space<hbm>> -> memref<208x128xf32, #tpu.memory_space<hbm>>
    %dma_start3A_425 = arith.constant 0 : i32
    %dma_start3A_426 = arith.constant 0 : i32
    %dma_start3A_427 = tpu.memref_slice %arg10[%dma_start3A_425, %dma_start3A_426] : memref<400x128xf32, #tpu.memory_space<vmem>> -> memref<208x128xf32, #tpu.memory_space<vmem>>
    tpu.enqueue_dma source(%dma_start3A_427 : memref<208x128xf32, #tpu.memory_space<vmem>>) target(%dma_start3A_424 : memref<208x128xf32, #tpu.memory_space<hbm>>) target_semaphore(%arg15 : memref<!tpu.dma_semaphore, #tpu.memory_space<semaphore_mem>>)
    %dma_start3A_428 = arith.constant 208 : i32
    %dma_start3A_429 = arith.constant 0 : i32
    %dma_start3A_430 = tpu.memref_slice %arg10[%dma_start3A_428, %dma_start3A_429] : memref<400x128xf32, #tpu.memory_space<vmem>> -> memref<192x128xf32, #tpu.memory_space<vmem>>
    %dma_start3A_431 = arith.constant 1008 : i32
    %dma_start3A_432 = tpu.memref_slice %arg9[%dma_start3A_431] : memref<3200xi32, #tpu.memory_space<vmem>> -> memref<192xi32, #tpu.memory_space<vmem>>
    %dma_start3A_433 = arith.constant 0 : i32
    %dma_start3A_434 = arith.constant 0 : i32
    %dma_start3A_435 = tpu.memref_slice %arg6[%dma_start3A_433, %dma_start3A_434] : memref<32x128xf32, #tpu.memory_space<vmem_shared>> -> memref<32x128xf32, #tpu.memory_space<vmem_shared>>
    tpu.enqueue_indirect_dma source(%dma_start3A_435 : memref<32x128xf32, #tpu.memory_space<vmem_shared>>) target(%dma_start3A_430 : memref<192x128xf32, #tpu.memory_space<vmem>>) offsets(%dma_start3A_432 : memref<192xi32, #tpu.memory_space<vmem>>) semaphore(%arg14 : memref<!tpu.dma_semaphore, #tpu.memory_space<semaphore_mem>>)
    %dma_wait3A_436 = arith.constant 208 : i32
    %dma_wait3A_437 = arith.constant 0 : i32
    %dma_wait3A_438 = tpu.memref_slice %arg10[%dma_wait3A_436, %dma_wait3A_437] : memref<400x128xf32, #tpu.memory_space<vmem>> -> memref<192x128xf32, #tpu.memory_space<vmem>>
    %dma_wait3A_439 = arith.constant 1008 : i32
    %dma_wait3A_440 = tpu.memref_slice %arg9[%dma_wait3A_439] : memref<3200xi32, #tpu.memory_space<vmem>> -> memref<192xi32, #tpu.memory_space<vmem>>
    %dma_wait3A_441 = arith.constant 0 : i32
    %dma_wait3A_442 = arith.constant 0 : i32
    %dma_wait3A_443 = tpu.memref_slice %arg6[%dma_wait3A_441, %dma_wait3A_442] : memref<32x128xf32, #tpu.memory_space<vmem_shared>> -> memref<32x128xf32, #tpu.memory_space<vmem_shared>>
    tpu.wait_indirect_dma semaphore(%arg14 : memref<!tpu.dma_semaphore, #tpu.memory_space<semaphore_mem>>) src(%dma_wait3A_443 : memref<32x128xf32, #tpu.memory_space<vmem_shared>>) dst(%dma_wait3A_438 : memref<192x128xf32, #tpu.memory_space<vmem>>)
    %mul3A_444 = arith.constant 400 : i32
    %mul3A_445 = arith.muli %add3A_379, %mul3A_444 : i32
    %add3A_446 = arith.constant 208 : i32
    %add3A_447 = arith.addi %mul3A_445, %add3A_446 : i32
    %dma_start3A_448 = arith.constant 208 : i32
    %dma_start3A_449 = arith.constant 0 : i32
    %dma_start3A_450 = tpu.memref_slice %arg10[%dma_start3A_448, %dma_start3A_449] : memref<400x128xf32, #tpu.memory_space<vmem>> -> memref<192x128xf32, #tpu.memory_space<vmem>>
    %dma_start3A_451 = arith.constant 0 : i32
    %dma_start3A_452 = tpu.memref_slice %arg5[%add3A_447, %dma_start3A_451] : memref<100000x128xf32, #tpu.memory_space<hbm>> -> memref<192x128xf32, #tpu.memory_space<hbm>>
    %dma_start3A_453 = arith.constant 0 : i32
    %dma_start3A_454 = tpu.memref_slice %arg5[%add3A_447, %dma_start3A_453] : memref<100000x128xf32, #tpu.memory_space<hbm>> -> memref<192x128xf32, #tpu.memory_space<hbm>>
    %dma_start3A_455 = arith.constant 208 : i32
    %dma_start3A_456 = arith.constant 0 : i32
    %dma_start3A_457 = tpu.memref_slice %arg10[%dma_start3A_455, %dma_start3A_456] : memref<400x128xf32, #tpu.memory_space<vmem>> -> memref<192x128xf32, #tpu.memory_space<vmem>>
    tpu.enqueue_dma source(%dma_start3A_457 : memref<192x128xf32, #tpu.memory_space<vmem>>) target(%dma_start3A_454 : memref<192x128xf32, #tpu.memory_space<hbm>>) target_semaphore(%arg15 : memref<!tpu.dma_semaphore, #tpu.memory_space<semaphore_mem>>)
    %scan3A_458 = arith.constant 0 : i32
    %scan3A_459 = arith.constant 0 : i32
    %scan3A_460 = arith.constant 25 : i32
    %scan3A_461 = arith.addi %scan3A_459, %scan3A_460 : i32
    %scan3A_462 = arith.constant 1 : i32
    %scan3A_463 = scf.for %scan3A_886 = %scan3A_459 to %scan3A_461 step %scan3A_462 iter_args(%scan3A_887 = %scan3A_458) -> (i32)  : i32 {
      %mul3A_888 = arith.constant 16 : i32
      %mul3A_889 = arith.muli %scan3A_886, %mul3A_888 : i32
      %add3A_890 = arith.constant 1200 : i32
      %add3A_891 = arith.addi %add3A_890, %mul3A_889 : i32
      %get3A = arith.index_cast %add3A_891 : i32 to index
      %get3A_892 = tpu.vector_load %arg7[%get3A] {strides = array<i32>} : memref<3200xi32, #tpu.memory_space<vmem>>, vector<16xi32>,
      %get3A_893 = vector.shape_cast %get3A_892 : vector<16xi32> to vector<16xi32>
      %jit3A = arith.constant 0 : i32
      %jit3A_894 = arith.constant 3 : i32
      %max3A = vector.broadcast %jit3A : i32 to vector<16xi32>
      %max3A_895 = arith.maxsi %max3A, %get3A_893 : vector<16xi32>
      %min3A = vector.broadcast %jit3A_894 : i32 to vector<16xi32>
      %min3A_896 = arith.minsi %min3A, %max3A_895 : vector<16xi32>
      %get3A_897 = arith.index_cast %add3A_891 : i32 to index
      %get3A_898 = tpu.vector_load %arg8[%get3A_897] {strides = array<i32>} : memref<3200xi32, #tpu.memory_space<vmem>>, vector<16xi32>,
      %get3A_899 = vector.shape_cast %get3A_898 : vector<16xi32> to vector<16xi32>
      %jit3A_900 = arith.constant 0 : i32
      %jit3A_901 = arith.constant 7 : i32
      %max3A_902 = vector.broadcast %jit3A_900 : i32 to vector<16xi32>
      %max3A_903 = arith.maxsi %max3A_902, %get3A_899 : vector<16xi32>
      %min3A_904 = vector.broadcast %jit3A_901 : i32 to vector<16xi32>
      %min3A_905 = arith.minsi %min3A_904, %max3A_903 : vector<16xi32>
      %mul3A_906 = arith.constant 8 : i32
      %mul3A_907 = vector.broadcast %mul3A_906 : i32 to vector<16xi32>
      %mul3A_908 = arith.muli %min3A_896, %mul3A_907 : vector<16xi32>
      %add3A_909 = arith.addi %mul3A_908, %min3A_905 : vector<16xi32>
      %swap3A = arith.index_cast %add3A_891 : i32 to index
      %swap3A_910 = tpu.vector_load %arg9[%swap3A] {strides = array<i32>} : memref<3200xi32, #tpu.memory_space<vmem>>, vector<16xi32>,
      %swap3A_911 = vector.shape_cast %swap3A_910 : vector<16xi32> to vector<16xi32>
      %swap3A_912 = vector.shape_cast %add3A_909 : vector<16xi32> to vector<16xi32>
      tpu.vector_store %arg9[%swap3A], %swap3A_912 {strides = array<i32>} : memref<3200xi32, #tpu.memory_space<vmem>>, vector<16xi32>,
      %scan3A_913 = arith.constant 0 : i32
      scf.yield %scan3A_913 : i32
    }
    %scan3A_464 = arith.constant 25 : i32
    %mul3A_465 = arith.constant 400 : i32
    %mul3A_466 = arith.muli %add3A_379, %mul3A_465 : i32
    %mul3A_467 = arith.constant 400 : i32
    %mul3A_468 = arith.muli %add3A_379, %mul3A_467 : i32
    %add3A_469 = arith.constant 208 : i32
    %add3A_470 = arith.addi %mul3A_468, %add3A_469 : i32
    %add3A_471 = arith.constant 96 : i32
    %add3A_472 = arith.addi %add3A, %add3A_471 : i32
    %dma_wait3A_473 = arith.constant 0 : i32
    %dma_wait3A_474 = arith.constant 0 : i32
    %dma_wait3A_475 = tpu.memref_slice %arg11[%dma_wait3A_473, %dma_wait3A_474] : memref<400x128xf32, #tpu.memory_space<vmem>> -> memref<208x128xf32, #tpu.memory_space<vmem>>
    %dma_wait3A_476 = arith.constant 0 : i32
    %dma_wait3A_477 = tpu.memref_slice %arg5[%mul3A_373, %dma_wait3A_476] : memref<100000x128xf32, #tpu.memory_space<hbm>> -> memref<208x128xf32, #tpu.memory_space<hbm>>
    %dma_wait3A_478 = arith.constant 0 : i32
    %dma_wait3A_479 = tpu.memref_slice %arg5[%mul3A_373, %dma_wait3A_478] : memref<100000x128xf32, #tpu.memory_space<hbm>> -> memref<208x128xf32, #tpu.memory_space<hbm>>
    %dma_wait3A_480 = arith.constant 0 : i32
    %dma_wait3A_481 = arith.constant 0 : i32
    %dma_wait3A_482 = tpu.memref_slice %arg11[%dma_wait3A_480, %dma_wait3A_481] : memref<400x128xf32, #tpu.memory_space<vmem>> -> memref<208x128xf32, #tpu.memory_space<vmem>>
    tpu.wait_dma2 semaphore(%arg16 : memref<!tpu.dma_semaphore, #tpu.memory_space<semaphore_mem>>) src(%dma_wait3A_482 : memref<208x128xf32, #tpu.memory_space<vmem>>) dst(%dma_wait3A_479 : memref<208x128xf32, #tpu.memory_space<hbm>>)
    %dma_wait3A_483 = arith.constant 208 : i32
    %dma_wait3A_484 = arith.constant 0 : i32
    %dma_wait3A_485 = tpu.memref_slice %arg11[%dma_wait3A_483, %dma_wait3A_484] : memref<400x128xf32, #tpu.memory_space<vmem>> -> memref<192x128xf32, #tpu.memory_space<vmem>>
    %dma_wait3A_486 = arith.constant 0 : i32
    %dma_wait3A_487 = tpu.memref_slice %arg5[%add3A_377, %dma_wait3A_486] : memref<100000x128xf32, #tpu.memory_space<hbm>> -> memref<192x128xf32, #tpu.memory_space<hbm>>
    %dma_wait3A_488 = arith.constant 0 : i32
    %dma_wait3A_489 = tpu.memref_slice %arg5[%add3A_377, %dma_wait3A_488] : memref<100000x128xf32, #tpu.memory_space<hbm>> -> memref<192x128xf32, #tpu.memory_space<hbm>>
    %dma_wait3A_490 = arith.constant 208 : i32
    %dma_wait3A_491 = arith.constant 0 : i32
    %dma_wait3A_492 = tpu.memref_slice %arg11[%dma_wait3A_490, %dma_wait3A_491] : memref<400x128xf32, #tpu.memory_space<vmem>> -> memref<192x128xf32, #tpu.memory_space<vmem>>
    tpu.wait_dma2 semaphore(%arg16 : memref<!tpu.dma_semaphore, #tpu.memory_space<semaphore_mem>>) src(%dma_wait3A_492 : memref<192x128xf32, #tpu.memory_space<vmem>>) dst(%dma_wait3A_489 : memref<192x128xf32, #tpu.memory_space<hbm>>)
    %dma_start3A_493 = arith.constant 0 : i32
    %dma_start3A_494 = arith.constant 0 : i32
    %dma_start3A_495 = tpu.memref_slice %arg11[%dma_start3A_493, %dma_start3A_494] : memref<400x128xf32, #tpu.memory_space<vmem>> -> memref<208x128xf32, #tpu.memory_space<vmem>>
    %dma_start3A_496 = arith.constant 1200 : i32
    %dma_start3A_497 = tpu.memref_slice %arg9[%dma_start3A_496] : memref<3200xi32, #tpu.memory_space<vmem>> -> memref<208xi32, #tpu.memory_space<vmem>>
    %dma_start3A_498 = arith.constant 0 : i32
    %dma_start3A_499 = arith.constant 0 : i32
    %dma_start3A_500 = tpu.memref_slice %arg6[%dma_start3A_498, %dma_start3A_499] : memref<32x128xf32, #tpu.memory_space<vmem_shared>> -> memref<32x128xf32, #tpu.memory_space<vmem_shared>>
    tpu.enqueue_indirect_dma source(%dma_start3A_500 : memref<32x128xf32, #tpu.memory_space<vmem_shared>>) target(%dma_start3A_495 : memref<208x128xf32, #tpu.memory_space<vmem>>) offsets(%dma_start3A_497 : memref<208xi32, #tpu.memory_space<vmem>>) semaphore(%arg13 : memref<!tpu.dma_semaphore, #tpu.memory_space<semaphore_mem>>)
    %dma_wait3A_501 = arith.constant 0 : i32
    %dma_wait3A_502 = arith.constant 0 : i32
    %dma_wait3A_503 = tpu.memref_slice %arg11[%dma_wait3A_501, %dma_wait3A_502] : memref<400x128xf32, #tpu.memory_space<vmem>> -> memref<208x128xf32, #tpu.memory_space<vmem>>
    %dma_wait3A_504 = arith.constant 1200 : i32
    %dma_wait3A_505 = tpu.memref_slice %arg9[%dma_wait3A_504] : memref<3200xi32, #tpu.memory_space<vmem>> -> memref<208xi32, #tpu.memory_space<vmem>>
    %dma_wait3A_506 = arith.constant 0 : i32
    %dma_wait3A_507 = arith.constant 0 : i32
    %dma_wait3A_508 = tpu.memref_slice %arg6[%dma_wait3A_506, %dma_wait3A_507] : memref<32x128xf32, #tpu.memory_space<vmem_shared>> -> memref<32x128xf32, #tpu.memory_space<vmem_shared>>
    tpu.wait_indirect_dma semaphore(%arg13 : memref<!tpu.dma_semaphore, #tpu.memory_space<semaphore_mem>>) src(%dma_wait3A_508 : memref<32x128xf32, #tpu.memory_space<vmem_shared>>) dst(%dma_wait3A_503 : memref<208x128xf32, #tpu.memory_space<vmem>>)
    %mul3A_509 = arith.constant 400 : i32
    %mul3A_510 = arith.muli %add3A_472, %mul3A_509 : i32
    %dma_start3A_511 = arith.constant 0 : i32
    %dma_start3A_512 = arith.constant 0 : i32
    %dma_start3A_513 = tpu.memref_slice %arg11[%dma_start3A_511, %dma_start3A_512] : memref<400x128xf32, #tpu.memory_space<vmem>> -> memref<208x128xf32, #tpu.memory_space<vmem>>
    %dma_start3A_514 = arith.constant 0 : i32
    %dma_start3A_515 = tpu.memref_slice %arg5[%mul3A_510, %dma_start3A_514] : memref<100000x128xf32, #tpu.memory_space<hbm>> -> memref<208x128xf32, #tpu.memory_space<hbm>>
    %dma_start3A_516 = arith.constant 0 : i32
    %dma_start3A_517 = tpu.memref_slice %arg5[%mul3A_510, %dma_start3A_516] : memref<100000x128xf32, #tpu.memory_space<hbm>> -> memref<208x128xf32, #tpu.memory_space<hbm>>
    %dma_start3A_518 = arith.constant 0 : i32
    %dma_start3A_519 = arith.constant 0 : i32
    %dma_start3A_520 = tpu.memref_slice %arg11[%dma_start3A_518, %dma_start3A_519] : memref<400x128xf32, #tpu.memory_space<vmem>> -> memref<208x128xf32, #tpu.memory_space<vmem>>
    tpu.enqueue_dma source(%dma_start3A_520 : memref<208x128xf32, #tpu.memory_space<vmem>>) target(%dma_start3A_517 : memref<208x128xf32, #tpu.memory_space<hbm>>) target_semaphore(%arg16 : memref<!tpu.dma_semaphore, #tpu.memory_space<semaphore_mem>>)
    %dma_start3A_521 = arith.constant 208 : i32
    %dma_start3A_522 = arith.constant 0 : i32
    %dma_start3A_523 = tpu.memref_slice %arg11[%dma_start3A_521, %dma_start3A_522] : memref<400x128xf32, #tpu.memory_space<vmem>> -> memref<192x128xf32, #tpu.memory_space<vmem>>
    %dma_start3A_524 = arith.constant 1408 : i32
    %dma_start3A_525 = tpu.memref_slice %arg9[%dma_start3A_524] : memref<3200xi32, #tpu.memory_space<vmem>> -> memref<192xi32, #tpu.memory_space<vmem>>
    %dma_start3A_526 = arith.constant 0 : i32
    %dma_start3A_527 = arith.constant 0 : i32
    %dma_start3A_528 = tpu.memref_slice %arg6[%dma_start3A_526, %dma_start3A_527] : memref<32x128xf32, #tpu.memory_space<vmem_shared>> -> memref<32x128xf32, #tpu.memory_space<vmem_shared>>
    tpu.enqueue_indirect_dma source(%dma_start3A_528 : memref<32x128xf32, #tpu.memory_space<vmem_shared>>) target(%dma_start3A_523 : memref<192x128xf32, #tpu.memory_space<vmem>>) offsets(%dma_start3A_525 : memref<192xi32, #tpu.memory_space<vmem>>) semaphore(%arg14 : memref<!tpu.dma_semaphore, #tpu.memory_space<semaphore_mem>>)
    %dma_wait3A_529 = arith.constant 208 : i32
    %dma_wait3A_530 = arith.constant 0 : i32
    %dma_wait3A_531 = tpu.memref_slice %arg11[%dma_wait3A_529, %dma_wait3A_530] : memref<400x128xf32, #tpu.memory_space<vmem>> -> memref<192x128xf32, #tpu.memory_space<vmem>>
    %dma_wait3A_532 = arith.constant 1408 : i32
    %dma_wait3A_533 = tpu.memref_slice %arg9[%dma_wait3A_532] : memref<3200xi32, #tpu.memory_space<vmem>> -> memref<192xi32, #tpu.memory_space<vmem>>
    %dma_wait3A_534 = arith.constant 0 : i32
    %dma_wait3A_535 = arith.constant 0 : i32
    %dma_wait3A_536 = tpu.memref_slice %arg6[%dma_wait3A_534, %dma_wait3A_535] : memref<32x128xf32, #tpu.memory_space<vmem_shared>> -> memref<32x128xf32, #tpu.memory_space<vmem_shared>>
    tpu.wait_indirect_dma semaphore(%arg14 : memref<!tpu.dma_semaphore, #tpu.memory_space<semaphore_mem>>) src(%dma_wait3A_536 : memref<32x128xf32, #tpu.memory_space<vmem_shared>>) dst(%dma_wait3A_531 : memref<192x128xf32, #tpu.memory_space<vmem>>)
    %mul3A_537 = arith.constant 400 : i32
    %mul3A_538 = arith.muli %add3A_472, %mul3A_537 : i32
    %add3A_539 = arith.constant 208 : i32
    %add3A_540 = arith.addi %mul3A_538, %add3A_539 : i32
    %dma_start3A_541 = arith.constant 208 : i32
    %dma_start3A_542 = arith.constant 0 : i32
    %dma_start3A_543 = tpu.memref_slice %arg11[%dma_start3A_541, %dma_start3A_542] : memref<400x128xf32, #tpu.memory_space<vmem>> -> memref<192x128xf32, #tpu.memory_space<vmem>>
    %dma_start3A_544 = arith.constant 0 : i32
    %dma_start3A_545 = tpu.memref_slice %arg5[%add3A_540, %dma_start3A_544] : memref<100000x128xf32, #tpu.memory_space<hbm>> -> memref<192x128xf32, #tpu.memory_space<hbm>>
    %dma_start3A_546 = arith.constant 0 : i32
    %dma_start3A_547 = tpu.memref_slice %arg5[%add3A_540, %dma_start3A_546] : memref<100000x128xf32, #tpu.memory_space<hbm>> -> memref<192x128xf32, #tpu.memory_space<hbm>>
    %dma_start3A_548 = arith.constant 208 : i32
    %dma_start3A_549 = arith.constant 0 : i32
    %dma_start3A_550 = tpu.memref_slice %arg11[%dma_start3A_548, %dma_start3A_549] : memref<400x128xf32, #tpu.memory_space<vmem>> -> memref<192x128xf32, #tpu.memory_space<vmem>>
    tpu.enqueue_dma source(%dma_start3A_550 : memref<192x128xf32, #tpu.memory_space<vmem>>) target(%dma_start3A_547 : memref<192x128xf32, #tpu.memory_space<hbm>>) target_semaphore(%arg16 : memref<!tpu.dma_semaphore, #tpu.memory_space<semaphore_mem>>)
    %scan3A_551 = arith.constant 0 : i32
    %scan3A_552 = arith.constant 0 : i32
    %scan3A_553 = arith.constant 25 : i32
    %scan3A_554 = arith.addi %scan3A_552, %scan3A_553 : i32
    %scan3A_555 = arith.constant 1 : i32
    %scan3A_556 = scf.for %scan3A_886 = %scan3A_552 to %scan3A_554 step %scan3A_555 iter_args(%scan3A_887 = %scan3A_551) -> (i32)  : i32 {
      %mul3A_888 = arith.constant 16 : i32
      %mul3A_889 = arith.muli %scan3A_886, %mul3A_888 : i32
      %add3A_890 = arith.constant 1600 : i32
      %add3A_891 = arith.addi %add3A_890, %mul3A_889 : i32
      %get3A = arith.index_cast %add3A_891 : i32 to index
      %get3A_892 = tpu.vector_load %arg7[%get3A] {strides = array<i32>} : memref<3200xi32, #tpu.memory_space<vmem>>, vector<16xi32>,
      %get3A_893 = vector.shape_cast %get3A_892 : vector<16xi32> to vector<16xi32>
      %jit3A = arith.constant 0 : i32
      %jit3A_894 = arith.constant 3 : i32
      %max3A = vector.broadcast %jit3A : i32 to vector<16xi32>
      %max3A_895 = arith.maxsi %max3A, %get3A_893 : vector<16xi32>
      %min3A = vector.broadcast %jit3A_894 : i32 to vector<16xi32>
      %min3A_896 = arith.minsi %min3A, %max3A_895 : vector<16xi32>
      %get3A_897 = arith.index_cast %add3A_891 : i32 to index
      %get3A_898 = tpu.vector_load %arg8[%get3A_897] {strides = array<i32>} : memref<3200xi32, #tpu.memory_space<vmem>>, vector<16xi32>,
      %get3A_899 = vector.shape_cast %get3A_898 : vector<16xi32> to vector<16xi32>
      %jit3A_900 = arith.constant 0 : i32
      %jit3A_901 = arith.constant 7 : i32
      %max3A_902 = vector.broadcast %jit3A_900 : i32 to vector<16xi32>
      %max3A_903 = arith.maxsi %max3A_902, %get3A_899 : vector<16xi32>
      %min3A_904 = vector.broadcast %jit3A_901 : i32 to vector<16xi32>
      %min3A_905 = arith.minsi %min3A_904, %max3A_903 : vector<16xi32>
      %mul3A_906 = arith.constant 8 : i32
      %mul3A_907 = vector.broadcast %mul3A_906 : i32 to vector<16xi32>
      %mul3A_908 = arith.muli %min3A_896, %mul3A_907 : vector<16xi32>
      %add3A_909 = arith.addi %mul3A_908, %min3A_905 : vector<16xi32>
      %swap3A = arith.index_cast %add3A_891 : i32 to index
      %swap3A_910 = tpu.vector_load %arg9[%swap3A] {strides = array<i32>} : memref<3200xi32, #tpu.memory_space<vmem>>, vector<16xi32>,
      %swap3A_911 = vector.shape_cast %swap3A_910 : vector<16xi32> to vector<16xi32>
      %swap3A_912 = vector.shape_cast %add3A_909 : vector<16xi32> to vector<16xi32>
      tpu.vector_store %arg9[%swap3A], %swap3A_912 {strides = array<i32>} : memref<3200xi32, #tpu.memory_space<vmem>>, vector<16xi32>,
      %scan3A_913 = arith.constant 0 : i32
      scf.yield %scan3A_913 : i32
    }
    %scan3A_557 = arith.constant 25 : i32
    %mul3A_558 = arith.constant 400 : i32
    %mul3A_559 = arith.muli %add3A_472, %mul3A_558 : i32
    %mul3A_560 = arith.constant 400 : i32
    %mul3A_561 = arith.muli %add3A_472, %mul3A_560 : i32
    %add3A_562 = arith.constant 208 : i32
    %add3A_563 = arith.addi %mul3A_561, %add3A_562 : i32
    %add3A_564 = arith.constant 128 : i32
    %add3A_565 = arith.addi %add3A, %add3A_564 : i32
    %dma_wait3A_566 = arith.constant 0 : i32
    %dma_wait3A_567 = arith.constant 0 : i32
    %dma_wait3A_568 = tpu.memref_slice %arg10[%dma_wait3A_566, %dma_wait3A_567] : memref<400x128xf32, #tpu.memory_space<vmem>> -> memref<208x128xf32, #tpu.memory_space<vmem>>
    %dma_wait3A_569 = arith.constant 0 : i32
    %dma_wait3A_570 = tpu.memref_slice %arg5[%mul3A_466, %dma_wait3A_569] : memref<100000x128xf32, #tpu.memory_space<hbm>> -> memref<208x128xf32, #tpu.memory_space<hbm>>
    %dma_wait3A_571 = arith.constant 0 : i32
    %dma_wait3A_572 = tpu.memref_slice %arg5[%mul3A_466, %dma_wait3A_571] : memref<100000x128xf32, #tpu.memory_space<hbm>> -> memref<208x128xf32, #tpu.memory_space<hbm>>
    %dma_wait3A_573 = arith.constant 0 : i32
    %dma_wait3A_574 = arith.constant 0 : i32
    %dma_wait3A_575 = tpu.memref_slice %arg10[%dma_wait3A_573, %dma_wait3A_574] : memref<400x128xf32, #tpu.memory_space<vmem>> -> memref<208x128xf32, #tpu.memory_space<vmem>>
    tpu.wait_dma2 semaphore(%arg15 : memref<!tpu.dma_semaphore, #tpu.memory_space<semaphore_mem>>) src(%dma_wait3A_575 : memref<208x128xf32, #tpu.memory_space<vmem>>) dst(%dma_wait3A_572 : memref<208x128xf32, #tpu.memory_space<hbm>>)
    %dma_wait3A_576 = arith.constant 208 : i32
    %dma_wait3A_577 = arith.constant 0 : i32
    %dma_wait3A_578 = tpu.memref_slice %arg10[%dma_wait3A_576, %dma_wait3A_577] : memref<400x128xf32, #tpu.memory_space<vmem>> -> memref<192x128xf32, #tpu.memory_space<vmem>>
    %dma_wait3A_579 = arith.constant 0 : i32
    %dma_wait3A_580 = tpu.memref_slice %arg5[%add3A_470, %dma_wait3A_579] : memref<100000x128xf32, #tpu.memory_space<hbm>> -> memref<192x128xf32, #tpu.memory_space<hbm>>
    %dma_wait3A_581 = arith.constant 0 : i32
    %dma_wait3A_582 = tpu.memref_slice %arg5[%add3A_470, %dma_wait3A_581] : memref<100000x128xf32, #tpu.memory_space<hbm>> -> memref<192x128xf32, #tpu.memory_space<hbm>>
    %dma_wait3A_583 = arith.constant 208 : i32
    %dma_wait3A_584 = arith.constant 0 : i32
    %dma_wait3A_585 = tpu.memref_slice %arg10[%dma_wait3A_583, %dma_wait3A_584] : memref<400x128xf32, #tpu.memory_space<vmem>> -> memref<192x128xf32, #tpu.memory_space<vmem>>
    tpu.wait_dma2 semaphore(%arg15 : memref<!tpu.dma_semaphore, #tpu.memory_space<semaphore_mem>>) src(%dma_wait3A_585 : memref<192x128xf32, #tpu.memory_space<vmem>>) dst(%dma_wait3A_582 : memref<192x128xf32, #tpu.memory_space<hbm>>)
    %dma_start3A_586 = arith.constant 0 : i32
    %dma_start3A_587 = arith.constant 0 : i32
    %dma_start3A_588 = tpu.memref_slice %arg10[%dma_start3A_586, %dma_start3A_587] : memref<400x128xf32, #tpu.memory_space<vmem>> -> memref<208x128xf32, #tpu.memory_space<vmem>>
    %dma_start3A_589 = arith.constant 1600 : i32
    %dma_start3A_590 = tpu.memref_slice %arg9[%dma_start3A_589] : memref<3200xi32, #tpu.memory_space<vmem>> -> memref<208xi32, #tpu.memory_space<vmem>>
    %dma_start3A_591 = arith.constant 0 : i32
    %dma_start3A_592 = arith.constant 0 : i32
    %dma_start3A_593 = tpu.memref_slice %arg6[%dma_start3A_591, %dma_start3A_592] : memref<32x128xf32, #tpu.memory_space<vmem_shared>> -> memref<32x128xf32, #tpu.memory_space<vmem_shared>>
    tpu.enqueue_indirect_dma source(%dma_start3A_593 : memref<32x128xf32, #tpu.memory_space<vmem_shared>>) target(%dma_start3A_588 : memref<208x128xf32, #tpu.memory_space<vmem>>) offsets(%dma_start3A_590 : memref<208xi32, #tpu.memory_space<vmem>>) semaphore(%arg13 : memref<!tpu.dma_semaphore, #tpu.memory_space<semaphore_mem>>)
    %dma_wait3A_594 = arith.constant 0 : i32
    %dma_wait3A_595 = arith.constant 0 : i32
    %dma_wait3A_596 = tpu.memref_slice %arg10[%dma_wait3A_594, %dma_wait3A_595] : memref<400x128xf32, #tpu.memory_space<vmem>> -> memref<208x128xf32, #tpu.memory_space<vmem>>
    %dma_wait3A_597 = arith.constant 1600 : i32
    %dma_wait3A_598 = tpu.memref_slice %arg9[%dma_wait3A_597] : memref<3200xi32, #tpu.memory_space<vmem>> -> memref<208xi32, #tpu.memory_space<vmem>>
    %dma_wait3A_599 = arith.constant 0 : i32
    %dma_wait3A_600 = arith.constant 0 : i32
    %dma_wait3A_601 = tpu.memref_slice %arg6[%dma_wait3A_599, %dma_wait3A_600] : memref<32x128xf32, #tpu.memory_space<vmem_shared>> -> memref<32x128xf32, #tpu.memory_space<vmem_shared>>
    tpu.wait_indirect_dma semaphore(%arg13 : memref<!tpu.dma_semaphore, #tpu.memory_space<semaphore_mem>>) src(%dma_wait3A_601 : memref<32x128xf32, #tpu.memory_space<vmem_shared>>) dst(%dma_wait3A_596 : memref<208x128xf32, #tpu.memory_space<vmem>>)
    %mul3A_602 = arith.constant 400 : i32
    %mul3A_603 = arith.muli %add3A_565, %mul3A_602 : i32
    %dma_start3A_604 = arith.constant 0 : i32
    %dma_start3A_605 = arith.constant 0 : i32
    %dma_start3A_606 = tpu.memref_slice %arg10[%dma_start3A_604, %dma_start3A_605] : memref<400x128xf32, #tpu.memory_space<vmem>> -> memref<208x128xf32, #tpu.memory_space<vmem>>
    %dma_start3A_607 = arith.constant 0 : i32
    %dma_start3A_608 = tpu.memref_slice %arg5[%mul3A_603, %dma_start3A_607] : memref<100000x128xf32, #tpu.memory_space<hbm>> -> memref<208x128xf32, #tpu.memory_space<hbm>>
    %dma_start3A_609 = arith.constant 0 : i32
    %dma_start3A_610 = tpu.memref_slice %arg5[%mul3A_603, %dma_start3A_609] : memref<100000x128xf32, #tpu.memory_space<hbm>> -> memref<208x128xf32, #tpu.memory_space<hbm>>
    %dma_start3A_611 = arith.constant 0 : i32
    %dma_start3A_612 = arith.constant 0 : i32
    %dma_start3A_613 = tpu.memref_slice %arg10[%dma_start3A_611, %dma_start3A_612] : memref<400x128xf32, #tpu.memory_space<vmem>> -> memref<208x128xf32, #tpu.memory_space<vmem>>
    tpu.enqueue_dma source(%dma_start3A_613 : memref<208x128xf32, #tpu.memory_space<vmem>>) target(%dma_start3A_610 : memref<208x128xf32, #tpu.memory_space<hbm>>) target_semaphore(%arg15 : memref<!tpu.dma_semaphore, #tpu.memory_space<semaphore_mem>>)
    %dma_start3A_614 = arith.constant 208 : i32
    %dma_start3A_615 = arith.constant 0 : i32
    %dma_start3A_616 = tpu.memref_slice %arg10[%dma_start3A_614, %dma_start3A_615] : memref<400x128xf32, #tpu.memory_space<vmem>> -> memref<192x128xf32, #tpu.memory_space<vmem>>
    %dma_start3A_617 = arith.constant 1808 : i32
    %dma_start3A_618 = tpu.memref_slice %arg9[%dma_start3A_617] : memref<3200xi32, #tpu.memory_space<vmem>> -> memref<192xi32, #tpu.memory_space<vmem>>
    %dma_start3A_619 = arith.constant 0 : i32
    %dma_start3A_620 = arith.constant 0 : i32
    %dma_start3A_621 = tpu.memref_slice %arg6[%dma_start3A_619, %dma_start3A_620] : memref<32x128xf32, #tpu.memory_space<vmem_shared>> -> memref<32x128xf32, #tpu.memory_space<vmem_shared>>
    tpu.enqueue_indirect_dma source(%dma_start3A_621 : memref<32x128xf32, #tpu.memory_space<vmem_shared>>) target(%dma_start3A_616 : memref<192x128xf32, #tpu.memory_space<vmem>>) offsets(%dma_start3A_618 : memref<192xi32, #tpu.memory_space<vmem>>) semaphore(%arg14 : memref<!tpu.dma_semaphore, #tpu.memory_space<semaphore_mem>>)
    %dma_wait3A_622 = arith.constant 208 : i32
    %dma_wait3A_623 = arith.constant 0 : i32
    %dma_wait3A_624 = tpu.memref_slice %arg10[%dma_wait3A_622, %dma_wait3A_623] : memref<400x128xf32, #tpu.memory_space<vmem>> -> memref<192x128xf32, #tpu.memory_space<vmem>>
    %dma_wait3A_625 = arith.constant 1808 : i32
    %dma_wait3A_626 = tpu.memref_slice %arg9[%dma_wait3A_625] : memref<3200xi32, #tpu.memory_space<vmem>> -> memref<192xi32, #tpu.memory_space<vmem>>
    %dma_wait3A_627 = arith.constant 0 : i32
    %dma_wait3A_628 = arith.constant 0 : i32
    %dma_wait3A_629 = tpu.memref_slice %arg6[%dma_wait3A_627, %dma_wait3A_628] : memref<32x128xf32, #tpu.memory_space<vmem_shared>> -> memref<32x128xf32, #tpu.memory_space<vmem_shared>>
    tpu.wait_indirect_dma semaphore(%arg14 : memref<!tpu.dma_semaphore, #tpu.memory_space<semaphore_mem>>) src(%dma_wait3A_629 : memref<32x128xf32, #tpu.memory_space<vmem_shared>>) dst(%dma_wait3A_624 : memref<192x128xf32, #tpu.memory_space<vmem>>)
    %mul3A_630 = arith.constant 400 : i32
    %mul3A_631 = arith.muli %add3A_565, %mul3A_630 : i32
    %add3A_632 = arith.constant 208 : i32
    %add3A_633 = arith.addi %mul3A_631, %add3A_632 : i32
    %dma_start3A_634 = arith.constant 208 : i32
    %dma_start3A_635 = arith.constant 0 : i32
    %dma_start3A_636 = tpu.memref_slice %arg10[%dma_start3A_634, %dma_start3A_635] : memref<400x128xf32, #tpu.memory_space<vmem>> -> memref<192x128xf32, #tpu.memory_space<vmem>>
    %dma_start3A_637 = arith.constant 0 : i32
    %dma_start3A_638 = tpu.memref_slice %arg5[%add3A_633, %dma_start3A_637] : memref<100000x128xf32, #tpu.memory_space<hbm>> -> memref<192x128xf32, #tpu.memory_space<hbm>>
    %dma_start3A_639 = arith.constant 0 : i32
    %dma_start3A_640 = tpu.memref_slice %arg5[%add3A_633, %dma_start3A_639] : memref<100000x128xf32, #tpu.memory_space<hbm>> -> memref<192x128xf32, #tpu.memory_space<hbm>>
    %dma_start3A_641 = arith.constant 208 : i32
    %dma_start3A_642 = arith.constant 0 : i32
    %dma_start3A_643 = tpu.memref_slice %arg10[%dma_start3A_641, %dma_start3A_642] : memref<400x128xf32, #tpu.memory_space<vmem>> -> memref<192x128xf32, #tpu.memory_space<vmem>>
    tpu.enqueue_dma source(%dma_start3A_643 : memref<192x128xf32, #tpu.memory_space<vmem>>) target(%dma_start3A_640 : memref<192x128xf32, #tpu.memory_space<hbm>>) target_semaphore(%arg15 : memref<!tpu.dma_semaphore, #tpu.memory_space<semaphore_mem>>)
    %scan3A_644 = arith.constant 0 : i32
    %scan3A_645 = arith.constant 0 : i32
    %scan3A_646 = arith.constant 25 : i32
    %scan3A_647 = arith.addi %scan3A_645, %scan3A_646 : i32
    %scan3A_648 = arith.constant 1 : i32
    %scan3A_649 = scf.for %scan3A_886 = %scan3A_645 to %scan3A_647 step %scan3A_648 iter_args(%scan3A_887 = %scan3A_644) -> (i32)  : i32 {
      %mul3A_888 = arith.constant 16 : i32
      %mul3A_889 = arith.muli %scan3A_886, %mul3A_888 : i32
      %add3A_890 = arith.constant 2000 : i32
      %add3A_891 = arith.addi %add3A_890, %mul3A_889 : i32
      %get3A = arith.index_cast %add3A_891 : i32 to index
      %get3A_892 = tpu.vector_load %arg7[%get3A] {strides = array<i32>} : memref<3200xi32, #tpu.memory_space<vmem>>, vector<16xi32>,
      %get3A_893 = vector.shape_cast %get3A_892 : vector<16xi32> to vector<16xi32>
      %jit3A = arith.constant 0 : i32
      %jit3A_894 = arith.constant 3 : i32
      %max3A = vector.broadcast %jit3A : i32 to vector<16xi32>
      %max3A_895 = arith.maxsi %max3A, %get3A_893 : vector<16xi32>
      %min3A = vector.broadcast %jit3A_894 : i32 to vector<16xi32>
      %min3A_896 = arith.minsi %min3A, %max3A_895 : vector<16xi32>
      %get3A_897 = arith.index_cast %add3A_891 : i32 to index
      %get3A_898 = tpu.vector_load %arg8[%get3A_897] {strides = array<i32>} : memref<3200xi32, #tpu.memory_space<vmem>>, vector<16xi32>,
      %get3A_899 = vector.shape_cast %get3A_898 : vector<16xi32> to vector<16xi32>
      %jit3A_900 = arith.constant 0 : i32
      %jit3A_901 = arith.constant 7 : i32
      %max3A_902 = vector.broadcast %jit3A_900 : i32 to vector<16xi32>
      %max3A_903 = arith.maxsi %max3A_902, %get3A_899 : vector<16xi32>
      %min3A_904 = vector.broadcast %jit3A_901 : i32 to vector<16xi32>
      %min3A_905 = arith.minsi %min3A_904, %max3A_903 : vector<16xi32>
      %mul3A_906 = arith.constant 8 : i32
      %mul3A_907 = vector.broadcast %mul3A_906 : i32 to vector<16xi32>
      %mul3A_908 = arith.muli %min3A_896, %mul3A_907 : vector<16xi32>
      %add3A_909 = arith.addi %mul3A_908, %min3A_905 : vector<16xi32>
      %swap3A = arith.index_cast %add3A_891 : i32 to index
      %swap3A_910 = tpu.vector_load %arg9[%swap3A] {strides = array<i32>} : memref<3200xi32, #tpu.memory_space<vmem>>, vector<16xi32>,
      %swap3A_911 = vector.shape_cast %swap3A_910 : vector<16xi32> to vector<16xi32>
      %swap3A_912 = vector.shape_cast %add3A_909 : vector<16xi32> to vector<16xi32>
      tpu.vector_store %arg9[%swap3A], %swap3A_912 {strides = array<i32>} : memref<3200xi32, #tpu.memory_space<vmem>>, vector<16xi32>,
      %scan3A_913 = arith.constant 0 : i32
      scf.yield %scan3A_913 : i32
    }
    %scan3A_650 = arith.constant 25 : i32
    %mul3A_651 = arith.constant 400 : i32
    %mul3A_652 = arith.muli %add3A_565, %mul3A_651 : i32
    %mul3A_653 = arith.constant 400 : i32
    %mul3A_654 = arith.muli %add3A_565, %mul3A_653 : i32
    %add3A_655 = arith.constant 208 : i32
    %add3A_656 = arith.addi %mul3A_654, %add3A_655 : i32
    %add3A_657 = arith.constant 160 : i32
    %add3A_658 = arith.addi %add3A, %add3A_657 : i32
    %dma_wait3A_659 = arith.constant 0 : i32
    %dma_wait3A_660 = arith.constant 0 : i32
    %dma_wait3A_661 = tpu.memref_slice %arg11[%dma_wait3A_659, %dma_wait3A_660] : memref<400x128xf32, #tpu.memory_space<vmem>> -> memref<208x128xf32, #tpu.memory_space<vmem>>
    %dma_wait3A_662 = arith.constant 0 : i32
    %dma_wait3A_663 = tpu.memref_slice %arg5[%mul3A_559, %dma_wait3A_662] : memref<100000x128xf32, #tpu.memory_space<hbm>> -> memref<208x128xf32, #tpu.memory_space<hbm>>
    %dma_wait3A_664 = arith.constant 0 : i32
    %dma_wait3A_665 = tpu.memref_slice %arg5[%mul3A_559, %dma_wait3A_664] : memref<100000x128xf32, #tpu.memory_space<hbm>> -> memref<208x128xf32, #tpu.memory_space<hbm>>
    %dma_wait3A_666 = arith.constant 0 : i32
    %dma_wait3A_667 = arith.constant 0 : i32
    %dma_wait3A_668 = tpu.memref_slice %arg11[%dma_wait3A_666, %dma_wait3A_667] : memref<400x128xf32, #tpu.memory_space<vmem>> -> memref<208x128xf32, #tpu.memory_space<vmem>>
    tpu.wait_dma2 semaphore(%arg16 : memref<!tpu.dma_semaphore, #tpu.memory_space<semaphore_mem>>) src(%dma_wait3A_668 : memref<208x128xf32, #tpu.memory_space<vmem>>) dst(%dma_wait3A_665 : memref<208x128xf32, #tpu.memory_space<hbm>>)
    %dma_wait3A_669 = arith.constant 208 : i32
    %dma_wait3A_670 = arith.constant 0 : i32
    %dma_wait3A_671 = tpu.memref_slice %arg11[%dma_wait3A_669, %dma_wait3A_670] : memref<400x128xf32, #tpu.memory_space<vmem>> -> memref<192x128xf32, #tpu.memory_space<vmem>>
    %dma_wait3A_672 = arith.constant 0 : i32
    %dma_wait3A_673 = tpu.memref_slice %arg5[%add3A_563, %dma_wait3A_672] : memref<100000x128xf32, #tpu.memory_space<hbm>> -> memref<192x128xf32, #tpu.memory_space<hbm>>
    %dma_wait3A_674 = arith.constant 0 : i32
    %dma_wait3A_675 = tpu.memref_slice %arg5[%add3A_563, %dma_wait3A_674] : memref<100000x128xf32, #tpu.memory_space<hbm>> -> memref<192x128xf32, #tpu.memory_space<hbm>>
    %dma_wait3A_676 = arith.constant 208 : i32
    %dma_wait3A_677 = arith.constant 0 : i32
    %dma_wait3A_678 = tpu.memref_slice %arg11[%dma_wait3A_676, %dma_wait3A_677] : memref<400x128xf32, #tpu.memory_space<vmem>> -> memref<192x128xf32, #tpu.memory_space<vmem>>
    tpu.wait_dma2 semaphore(%arg16 : memref<!tpu.dma_semaphore, #tpu.memory_space<semaphore_mem>>) src(%dma_wait3A_678 : memref<192x128xf32, #tpu.memory_space<vmem>>) dst(%dma_wait3A_675 : memref<192x128xf32, #tpu.memory_space<hbm>>)
    %dma_start3A_679 = arith.constant 0 : i32
    %dma_start3A_680 = arith.constant 0 : i32
    %dma_start3A_681 = tpu.memref_slice %arg11[%dma_start3A_679, %dma_start3A_680] : memref<400x128xf32, #tpu.memory_space<vmem>> -> memref<208x128xf32, #tpu.memory_space<vmem>>
    %dma_start3A_682 = arith.constant 2000 : i32
    %dma_start3A_683 = tpu.memref_slice %arg9[%dma_start3A_682] : memref<3200xi32, #tpu.memory_space<vmem>> -> memref<208xi32, #tpu.memory_space<vmem>>
    %dma_start3A_684 = arith.constant 0 : i32
    %dma_start3A_685 = arith.constant 0 : i32
    %dma_start3A_686 = tpu.memref_slice %arg6[%dma_start3A_684, %dma_start3A_685] : memref<32x128xf32, #tpu.memory_space<vmem_shared>> -> memref<32x128xf32, #tpu.memory_space<vmem_shared>>
    tpu.enqueue_indirect_dma source(%dma_start3A_686 : memref<32x128xf32, #tpu.memory_space<vmem_shared>>) target(%dma_start3A_681 : memref<208x128xf32, #tpu.memory_space<vmem>>) offsets(%dma_start3A_683 : memref<208xi32, #tpu.memory_space<vmem>>) semaphore(%arg13 : memref<!tpu.dma_semaphore, #tpu.memory_space<semaphore_mem>>)
    %dma_wait3A_687 = arith.constant 0 : i32
    %dma_wait3A_688 = arith.constant 0 : i32
    %dma_wait3A_689 = tpu.memref_slice %arg11[%dma_wait3A_687, %dma_wait3A_688] : memref<400x128xf32, #tpu.memory_space<vmem>> -> memref<208x128xf32, #tpu.memory_space<vmem>>
    %dma_wait3A_690 = arith.constant 2000 : i32
    %dma_wait3A_691 = tpu.memref_slice %arg9[%dma_wait3A_690] : memref<3200xi32, #tpu.memory_space<vmem>> -> memref<208xi32, #tpu.memory_space<vmem>>
    %dma_wait3A_692 = arith.constant 0 : i32
    %dma_wait3A_693 = arith.constant 0 : i32
    %dma_wait3A_694 = tpu.memref_slice %arg6[%dma_wait3A_692, %dma_wait3A_693] : memref<32x128xf32, #tpu.memory_space<vmem_shared>> -> memref<32x128xf32, #tpu.memory_space<vmem_shared>>
    tpu.wait_indirect_dma semaphore(%arg13 : memref<!tpu.dma_semaphore, #tpu.memory_space<semaphore_mem>>) src(%dma_wait3A_694 : memref<32x128xf32, #tpu.memory_space<vmem_shared>>) dst(%dma_wait3A_689 : memref<208x128xf32, #tpu.memory_space<vmem>>)
    %mul3A_695 = arith.constant 400 : i32
    %mul3A_696 = arith.muli %add3A_658, %mul3A_695 : i32
    %dma_start3A_697 = arith.constant 0 : i32
    %dma_start3A_698 = arith.constant 0 : i32
    %dma_start3A_699 = tpu.memref_slice %arg11[%dma_start3A_697, %dma_start3A_698] : memref<400x128xf32, #tpu.memory_space<vmem>> -> memref<208x128xf32, #tpu.memory_space<vmem>>
    %dma_start3A_700 = arith.constant 0 : i32
    %dma_start3A_701 = tpu.memref_slice %arg5[%mul3A_696, %dma_start3A_700] : memref<100000x128xf32, #tpu.memory_space<hbm>> -> memref<208x128xf32, #tpu.memory_space<hbm>>
    %dma_start3A_702 = arith.constant 0 : i32
    %dma_start3A_703 = tpu.memref_slice %arg5[%mul3A_696, %dma_start3A_702] : memref<100000x128xf32, #tpu.memory_space<hbm>> -> memref<208x128xf32, #tpu.memory_space<hbm>>
    %dma_start3A_704 = arith.constant 0 : i32
    %dma_start3A_705 = arith.constant 0 : i32
    %dma_start3A_706 = tpu.memref_slice %arg11[%dma_start3A_704, %dma_start3A_705] : memref<400x128xf32, #tpu.memory_space<vmem>> -> memref<208x128xf32, #tpu.memory_space<vmem>>
    tpu.enqueue_dma source(%dma_start3A_706 : memref<208x128xf32, #tpu.memory_space<vmem>>) target(%dma_start3A_703 : memref<208x128xf32, #tpu.memory_space<hbm>>) target_semaphore(%arg16 : memref<!tpu.dma_semaphore, #tpu.memory_space<semaphore_mem>>)
    %dma_start3A_707 = arith.constant 208 : i32
    %dma_start3A_708 = arith.constant 0 : i32
    %dma_start3A_709 = tpu.memref_slice %arg11[%dma_start3A_707, %dma_start3A_708] : memref<400x128xf32, #tpu.memory_space<vmem>> -> memref<192x128xf32, #tpu.memory_space<vmem>>
    %dma_start3A_710 = arith.constant 2208 : i32
    %dma_start3A_711 = tpu.memref_slice %arg9[%dma_start3A_710] : memref<3200xi32, #tpu.memory_space<vmem>> -> memref<192xi32, #tpu.memory_space<vmem>>
    %dma_start3A_712 = arith.constant 0 : i32
    %dma_start3A_713 = arith.constant 0 : i32
    %dma_start3A_714 = tpu.memref_slice %arg6[%dma_start3A_712, %dma_start3A_713] : memref<32x128xf32, #tpu.memory_space<vmem_shared>> -> memref<32x128xf32, #tpu.memory_space<vmem_shared>>
    tpu.enqueue_indirect_dma source(%dma_start3A_714 : memref<32x128xf32, #tpu.memory_space<vmem_shared>>) target(%dma_start3A_709 : memref<192x128xf32, #tpu.memory_space<vmem>>) offsets(%dma_start3A_711 : memref<192xi32, #tpu.memory_space<vmem>>) semaphore(%arg14 : memref<!tpu.dma_semaphore, #tpu.memory_space<semaphore_mem>>)
    %dma_wait3A_715 = arith.constant 208 : i32
    %dma_wait3A_716 = arith.constant 0 : i32
    %dma_wait3A_717 = tpu.memref_slice %arg11[%dma_wait3A_715, %dma_wait3A_716] : memref<400x128xf32, #tpu.memory_space<vmem>> -> memref<192x128xf32, #tpu.memory_space<vmem>>
    %dma_wait3A_718 = arith.constant 2208 : i32
    %dma_wait3A_719 = tpu.memref_slice %arg9[%dma_wait3A_718] : memref<3200xi32, #tpu.memory_space<vmem>> -> memref<192xi32, #tpu.memory_space<vmem>>
    %dma_wait3A_720 = arith.constant 0 : i32
    %dma_wait3A_721 = arith.constant 0 : i32
    %dma_wait3A_722 = tpu.memref_slice %arg6[%dma_wait3A_720, %dma_wait3A_721] : memref<32x128xf32, #tpu.memory_space<vmem_shared>> -> memref<32x128xf32, #tpu.memory_space<vmem_shared>>
    tpu.wait_indirect_dma semaphore(%arg14 : memref<!tpu.dma_semaphore, #tpu.memory_space<semaphore_mem>>) src(%dma_wait3A_722 : memref<32x128xf32, #tpu.memory_space<vmem_shared>>) dst(%dma_wait3A_717 : memref<192x128xf32, #tpu.memory_space<vmem>>)
    %mul3A_723 = arith.constant 400 : i32
    %mul3A_724 = arith.muli %add3A_658, %mul3A_723 : i32
    %add3A_725 = arith.constant 208 : i32
    %add3A_726 = arith.addi %mul3A_724, %add3A_725 : i32
    %dma_start3A_727 = arith.constant 208 : i32
    %dma_start3A_728 = arith.constant 0 : i32
    %dma_start3A_729 = tpu.memref_slice %arg11[%dma_start3A_727, %dma_start3A_728] : memref<400x128xf32, #tpu.memory_space<vmem>> -> memref<192x128xf32, #tpu.memory_space<vmem>>
    %dma_start3A_730 = arith.constant 0 : i32
    %dma_start3A_731 = tpu.memref_slice %arg5[%add3A_726, %dma_start3A_730] : memref<100000x128xf32, #tpu.memory_space<hbm>> -> memref<192x128xf32, #tpu.memory_space<hbm>>
    %dma_start3A_732 = arith.constant 0 : i32
    %dma_start3A_733 = tpu.memref_slice %arg5[%add3A_726, %dma_start3A_732] : memref<100000x128xf32, #tpu.memory_space<hbm>> -> memref<192x128xf32, #tpu.memory_space<hbm>>
    %dma_start3A_734 = arith.constant 208 : i32
    %dma_start3A_735 = arith.constant 0 : i32
    %dma_start3A_736 = tpu.memref_slice %arg11[%dma_start3A_734, %dma_start3A_735] : memref<400x128xf32, #tpu.memory_space<vmem>> -> memref<192x128xf32, #tpu.memory_space<vmem>>
    tpu.enqueue_dma source(%dma_start3A_736 : memref<192x128xf32, #tpu.memory_space<vmem>>) target(%dma_start3A_733 : memref<192x128xf32, #tpu.memory_space<hbm>>) target_semaphore(%arg16 : memref<!tpu.dma_semaphore, #tpu.memory_space<semaphore_mem>>)
    %scan3A_737 = arith.constant 0 : i32
    %scan3A_738 = arith.constant 0 : i32
    %scan3A_739 = arith.constant 25 : i32
    %scan3A_740 = arith.addi %scan3A_738, %scan3A_739 : i32
    %scan3A_741 = arith.constant 1 : i32
    %scan3A_742 = scf.for %scan3A_886 = %scan3A_738 to %scan3A_740 step %scan3A_741 iter_args(%scan3A_887 = %scan3A_737) -> (i32)  : i32 {
      %mul3A_888 = arith.constant 16 : i32
      %mul3A_889 = arith.muli %scan3A_886, %mul3A_888 : i32
      %add3A_890 = arith.constant 2400 : i32
      %add3A_891 = arith.addi %add3A_890, %mul3A_889 : i32
      %get3A = arith.index_cast %add3A_891 : i32 to index
      %get3A_892 = tpu.vector_load %arg7[%get3A] {strides = array<i32>} : memref<3200xi32, #tpu.memory_space<vmem>>, vector<16xi32>,
      %get3A_893 = vector.shape_cast %get3A_892 : vector<16xi32> to vector<16xi32>
      %jit3A = arith.constant 0 : i32
      %jit3A_894 = arith.constant 3 : i32
      %max3A = vector.broadcast %jit3A : i32 to vector<16xi32>
      %max3A_895 = arith.maxsi %max3A, %get3A_893 : vector<16xi32>
      %min3A = vector.broadcast %jit3A_894 : i32 to vector<16xi32>
      %min3A_896 = arith.minsi %min3A, %max3A_895 : vector<16xi32>
      %get3A_897 = arith.index_cast %add3A_891 : i32 to index
      %get3A_898 = tpu.vector_load %arg8[%get3A_897] {strides = array<i32>} : memref<3200xi32, #tpu.memory_space<vmem>>, vector<16xi32>,
      %get3A_899 = vector.shape_cast %get3A_898 : vector<16xi32> to vector<16xi32>
      %jit3A_900 = arith.constant 0 : i32
      %jit3A_901 = arith.constant 7 : i32
      %max3A_902 = vector.broadcast %jit3A_900 : i32 to vector<16xi32>
      %max3A_903 = arith.maxsi %max3A_902, %get3A_899 : vector<16xi32>
      %min3A_904 = vector.broadcast %jit3A_901 : i32 to vector<16xi32>
      %min3A_905 = arith.minsi %min3A_904, %max3A_903 : vector<16xi32>
      %mul3A_906 = arith.constant 8 : i32
      %mul3A_907 = vector.broadcast %mul3A_906 : i32 to vector<16xi32>
      %mul3A_908 = arith.muli %min3A_896, %mul3A_907 : vector<16xi32>
      %add3A_909 = arith.addi %mul3A_908, %min3A_905 : vector<16xi32>
      %swap3A = arith.index_cast %add3A_891 : i32 to index
      %swap3A_910 = tpu.vector_load %arg9[%swap3A] {strides = array<i32>} : memref<3200xi32, #tpu.memory_space<vmem>>, vector<16xi32>,
      %swap3A_911 = vector.shape_cast %swap3A_910 : vector<16xi32> to vector<16xi32>
      %swap3A_912 = vector.shape_cast %add3A_909 : vector<16xi32> to vector<16xi32>
      tpu.vector_store %arg9[%swap3A], %swap3A_912 {strides = array<i32>} : memref<3200xi32, #tpu.memory_space<vmem>>, vector<16xi32>,
      %scan3A_913 = arith.constant 0 : i32
      scf.yield %scan3A_913 : i32
    }
    %scan3A_743 = arith.constant 25 : i32
    %mul3A_744 = arith.constant 400 : i32
    %mul3A_745 = arith.muli %add3A_658, %mul3A_744 : i32
    %mul3A_746 = arith.constant 400 : i32
    %mul3A_747 = arith.muli %add3A_658, %mul3A_746 : i32
    %add3A_748 = arith.constant 208 : i32
    %add3A_749 = arith.addi %mul3A_747, %add3A_748 : i32
    %add3A_750 = arith.constant 192 : i32
    %add3A_751 = arith.addi %add3A, %add3A_750 : i32
    %dma_wait3A_752 = arith.constant 0 : i32
    %dma_wait3A_753 = arith.constant 0 : i32
    %dma_wait3A_754 = tpu.memref_slice %arg10[%dma_wait3A_752, %dma_wait3A_753] : memref<400x128xf32, #tpu.memory_space<vmem>> -> memref<208x128xf32, #tpu.memory_space<vmem>>
    %dma_wait3A_755 = arith.constant 0 : i32
    %dma_wait3A_756 = tpu.memref_slice %arg5[%mul3A_652, %dma_wait3A_755] : memref<100000x128xf32, #tpu.memory_space<hbm>> -> memref<208x128xf32, #tpu.memory_space<hbm>>
    %dma_wait3A_757 = arith.constant 0 : i32
    %dma_wait3A_758 = tpu.memref_slice %arg5[%mul3A_652, %dma_wait3A_757] : memref<100000x128xf32, #tpu.memory_space<hbm>> -> memref<208x128xf32, #tpu.memory_space<hbm>>
    %dma_wait3A_759 = arith.constant 0 : i32
    %dma_wait3A_760 = arith.constant 0 : i32
    %dma_wait3A_761 = tpu.memref_slice %arg10[%dma_wait3A_759, %dma_wait3A_760] : memref<400x128xf32, #tpu.memory_space<vmem>> -> memref<208x128xf32, #tpu.memory_space<vmem>>
    tpu.wait_dma2 semaphore(%arg15 : memref<!tpu.dma_semaphore, #tpu.memory_space<semaphore_mem>>) src(%dma_wait3A_761 : memref<208x128xf32, #tpu.memory_space<vmem>>) dst(%dma_wait3A_758 : memref<208x128xf32, #tpu.memory_space<hbm>>)
    %dma_wait3A_762 = arith.constant 208 : i32
    %dma_wait3A_763 = arith.constant 0 : i32
    %dma_wait3A_764 = tpu.memref_slice %arg10[%dma_wait3A_762, %dma_wait3A_763] : memref<400x128xf32, #tpu.memory_space<vmem>> -> memref<192x128xf32, #tpu.memory_space<vmem>>
    %dma_wait3A_765 = arith.constant 0 : i32
    %dma_wait3A_766 = tpu.memref_slice %arg5[%add3A_656, %dma_wait3A_765] : memref<100000x128xf32, #tpu.memory_space<hbm>> -> memref<192x128xf32, #tpu.memory_space<hbm>>
    %dma_wait3A_767 = arith.constant 0 : i32
    %dma_wait3A_768 = tpu.memref_slice %arg5[%add3A_656, %dma_wait3A_767] : memref<100000x128xf32, #tpu.memory_space<hbm>> -> memref<192x128xf32, #tpu.memory_space<hbm>>
    %dma_wait3A_769 = arith.constant 208 : i32
    %dma_wait3A_770 = arith.constant 0 : i32
    %dma_wait3A_771 = tpu.memref_slice %arg10[%dma_wait3A_769, %dma_wait3A_770] : memref<400x128xf32, #tpu.memory_space<vmem>> -> memref<192x128xf32, #tpu.memory_space<vmem>>
    tpu.wait_dma2 semaphore(%arg15 : memref<!tpu.dma_semaphore, #tpu.memory_space<semaphore_mem>>) src(%dma_wait3A_771 : memref<192x128xf32, #tpu.memory_space<vmem>>) dst(%dma_wait3A_768 : memref<192x128xf32, #tpu.memory_space<hbm>>)
    %dma_start3A_772 = arith.constant 0 : i32
    %dma_start3A_773 = arith.constant 0 : i32
    %dma_start3A_774 = tpu.memref_slice %arg10[%dma_start3A_772, %dma_start3A_773] : memref<400x128xf32, #tpu.memory_space<vmem>> -> memref<208x128xf32, #tpu.memory_space<vmem>>
    %dma_start3A_775 = arith.constant 2400 : i32
    %dma_start3A_776 = tpu.memref_slice %arg9[%dma_start3A_775] : memref<3200xi32, #tpu.memory_space<vmem>> -> memref<208xi32, #tpu.memory_space<vmem>>
    %dma_start3A_777 = arith.constant 0 : i32
    %dma_start3A_778 = arith.constant 0 : i32
    %dma_start3A_779 = tpu.memref_slice %arg6[%dma_start3A_777, %dma_start3A_778] : memref<32x128xf32, #tpu.memory_space<vmem_shared>> -> memref<32x128xf32, #tpu.memory_space<vmem_shared>>
    tpu.enqueue_indirect_dma source(%dma_start3A_779 : memref<32x128xf32, #tpu.memory_space<vmem_shared>>) target(%dma_start3A_774 : memref<208x128xf32, #tpu.memory_space<vmem>>) offsets(%dma_start3A_776 : memref<208xi32, #tpu.memory_space<vmem>>) semaphore(%arg13 : memref<!tpu.dma_semaphore, #tpu.memory_space<semaphore_mem>>)
    %dma_wait3A_780 = arith.constant 0 : i32
    %dma_wait3A_781 = arith.constant 0 : i32
    %dma_wait3A_782 = tpu.memref_slice %arg10[%dma_wait3A_780, %dma_wait3A_781] : memref<400x128xf32, #tpu.memory_space<vmem>> -> memref<208x128xf32, #tpu.memory_space<vmem>>
    %dma_wait3A_783 = arith.constant 2400 : i32
    %dma_wait3A_784 = tpu.memref_slice %arg9[%dma_wait3A_783] : memref<3200xi32, #tpu.memory_space<vmem>> -> memref<208xi32, #tpu.memory_space<vmem>>
    %dma_wait3A_785 = arith.constant 0 : i32
    %dma_wait3A_786 = arith.constant 0 : i32
    %dma_wait3A_787 = tpu.memref_slice %arg6[%dma_wait3A_785, %dma_wait3A_786] : memref<32x128xf32, #tpu.memory_space<vmem_shared>> -> memref<32x128xf32, #tpu.memory_space<vmem_shared>>
    tpu.wait_indirect_dma semaphore(%arg13 : memref<!tpu.dma_semaphore, #tpu.memory_space<semaphore_mem>>) src(%dma_wait3A_787 : memref<32x128xf32, #tpu.memory_space<vmem_shared>>) dst(%dma_wait3A_782 : memref<208x128xf32, #tpu.memory_space<vmem>>)
    %mul3A_788 = arith.constant 400 : i32
    %mul3A_789 = arith.muli %add3A_751, %mul3A_788 : i32
    %dma_start3A_790 = arith.constant 0 : i32
    %dma_start3A_791 = arith.constant 0 : i32
    %dma_start3A_792 = tpu.memref_slice %arg10[%dma_start3A_790, %dma_start3A_791] : memref<400x128xf32, #tpu.memory_space<vmem>> -> memref<208x128xf32, #tpu.memory_space<vmem>>
    %dma_start3A_793 = arith.constant 0 : i32
    %dma_start3A_794 = tpu.memref_slice %arg5[%mul3A_789, %dma_start3A_793] : memref<100000x128xf32, #tpu.memory_space<hbm>> -> memref<208x128xf32, #tpu.memory_space<hbm>>
    %dma_start3A_795 = arith.constant 0 : i32
    %dma_start3A_796 = tpu.memref_slice %arg5[%mul3A_789, %dma_start3A_795] : memref<100000x128xf32, #tpu.memory_space<hbm>> -> memref<208x128xf32, #tpu.memory_space<hbm>>
    %dma_start3A_797 = arith.constant 0 : i32
    %dma_start3A_798 = arith.constant 0 : i32
    %dma_start3A_799 = tpu.memref_slice %arg10[%dma_start3A_797, %dma_start3A_798] : memref<400x128xf32, #tpu.memory_space<vmem>> -> memref<208x128xf32, #tpu.memory_space<vmem>>
    tpu.enqueue_dma source(%dma_start3A_799 : memref<208x128xf32, #tpu.memory_space<vmem>>) target(%dma_start3A_796 : memref<208x128xf32, #tpu.memory_space<hbm>>) target_semaphore(%arg15 : memref<!tpu.dma_semaphore, #tpu.memory_space<semaphore_mem>>)
    %dma_start3A_800 = arith.constant 208 : i32
    %dma_start3A_801 = arith.constant 0 : i32
    %dma_start3A_802 = tpu.memref_slice %arg10[%dma_start3A_800, %dma_start3A_801] : memref<400x128xf32, #tpu.memory_space<vmem>> -> memref<192x128xf32, #tpu.memory_space<vmem>>
    %dma_start3A_803 = arith.constant 2608 : i32
    %dma_start3A_804 = tpu.memref_slice %arg9[%dma_start3A_803] : memref<3200xi32, #tpu.memory_space<vmem>> -> memref<192xi32, #tpu.memory_space<vmem>>
    %dma_start3A_805 = arith.constant 0 : i32
    %dma_start3A_806 = arith.constant 0 : i32
    %dma_start3A_807 = tpu.memref_slice %arg6[%dma_start3A_805, %dma_start3A_806] : memref<32x128xf32, #tpu.memory_space<vmem_shared>> -> memref<32x128xf32, #tpu.memory_space<vmem_shared>>
    tpu.enqueue_indirect_dma source(%dma_start3A_807 : memref<32x128xf32, #tpu.memory_space<vmem_shared>>) target(%dma_start3A_802 : memref<192x128xf32, #tpu.memory_space<vmem>>) offsets(%dma_start3A_804 : memref<192xi32, #tpu.memory_space<vmem>>) semaphore(%arg14 : memref<!tpu.dma_semaphore, #tpu.memory_space<semaphore_mem>>)
    %dma_wait3A_808 = arith.constant 208 : i32
    %dma_wait3A_809 = arith.constant 0 : i32
    %dma_wait3A_810 = tpu.memref_slice %arg10[%dma_wait3A_808, %dma_wait3A_809] : memref<400x128xf32, #tpu.memory_space<vmem>> -> memref<192x128xf32, #tpu.memory_space<vmem>>
    %dma_wait3A_811 = arith.constant 2608 : i32
    %dma_wait3A_812 = tpu.memref_slice %arg9[%dma_wait3A_811] : memref<3200xi32, #tpu.memory_space<vmem>> -> memref<192xi32, #tpu.memory_space<vmem>>
    %dma_wait3A_813 = arith.constant 0 : i32
    %dma_wait3A_814 = arith.constant 0 : i32
    %dma_wait3A_815 = tpu.memref_slice %arg6[%dma_wait3A_813, %dma_wait3A_814] : memref<32x128xf32, #tpu.memory_space<vmem_shared>> -> memref<32x128xf32, #tpu.memory_space<vmem_shared>>
    tpu.wait_indirect_dma semaphore(%arg14 : memref<!tpu.dma_semaphore, #tpu.memory_space<semaphore_mem>>) src(%dma_wait3A_815 : memref<32x128xf32, #tpu.memory_space<vmem_shared>>) dst(%dma_wait3A_810 : memref<192x128xf32, #tpu.memory_space<vmem>>)
    %mul3A_816 = arith.constant 400 : i32
    %mul3A_817 = arith.muli %add3A_751, %mul3A_816 : i32
    %add3A_818 = arith.constant 208 : i32
    %add3A_819 = arith.addi %mul3A_817, %add3A_818 : i32
    %dma_start3A_820 = arith.constant 208 : i32
    %dma_start3A_821 = arith.constant 0 : i32
    %dma_start3A_822 = tpu.memref_slice %arg10[%dma_start3A_820, %dma_start3A_821] : memref<400x128xf32, #tpu.memory_space<vmem>> -> memref<192x128xf32, #tpu.memory_space<vmem>>
    %dma_start3A_823 = arith.constant 0 : i32
    %dma_start3A_824 = tpu.memref_slice %arg5[%add3A_819, %dma_start3A_823] : memref<100000x128xf32, #tpu.memory_space<hbm>> -> memref<192x128xf32, #tpu.memory_space<hbm>>
    %dma_start3A_825 = arith.constant 0 : i32
    %dma_start3A_826 = tpu.memref_slice %arg5[%add3A_819, %dma_start3A_825] : memref<100000x128xf32, #tpu.memory_space<hbm>> -> memref<192x128xf32, #tpu.memory_space<hbm>>
    %dma_start3A_827 = arith.constant 208 : i32
    %dma_start3A_828 = arith.constant 0 : i32
    %dma_start3A_829 = tpu.memref_slice %arg10[%dma_start3A_827, %dma_start3A_828] : memref<400x128xf32, #tpu.memory_space<vmem>> -> memref<192x128xf32, #tpu.memory_space<vmem>>
    tpu.enqueue_dma source(%dma_start3A_829 : memref<192x128xf32, #tpu.memory_space<vmem>>) target(%dma_start3A_826 : memref<192x128xf32, #tpu.memory_space<hbm>>) target_semaphore(%arg15 : memref<!tpu.dma_semaphore, #tpu.memory_space<semaphore_mem>>)
    %lt3A_830 = arith.constant 250 : i32
    %lt3A_831 = arith.cmpi slt, %add3A_129, %lt3A_830 : i32
    %convert_element_type3A_832 = arith.extui %lt3A_831 : i1 to i32
    %cond3A_833 = arith.constant 0 : i32
    %cond3A_834 = arith.cmpi ne, %convert_element_type3A_832, %cond3A_833 : i32
    scf.if %cond3A_834 {
      %scan3A_886 = arith.constant 0 : i32
      %scan3A_887 = arith.constant 0 : i32
      %scan3A_888 = arith.constant 25 : i32
      %scan3A_889 = arith.addi %scan3A_887, %scan3A_888 : i32
      %scan3A_890 = arith.constant 1 : i32
      %scan3A_891 = scf.for %scan3A_893 = %scan3A_887 to %scan3A_889 step %scan3A_890 iter_args(%scan3A_894 = %scan3A_886) -> (i32)  : i32 {
        %mul3A_895 = arith.constant 16 : i32
        %mul3A_896 = arith.muli %scan3A_893, %mul3A_895 : i32
        %add3A_897 = arith.constant 2800 : i32
        %add3A_898 = arith.addi %add3A_897, %mul3A_896 : i32
        %get3A = arith.index_cast %add3A_898 : i32 to index
        %get3A_899 = tpu.vector_load %arg7[%get3A] {strides = array<i32>} : memref<3200xi32, #tpu.memory_space<vmem>>, vector<16xi32>,
        %get3A_900 = vector.shape_cast %get3A_899 : vector<16xi32> to vector<16xi32>
        %jit3A = arith.constant 0 : i32
        %jit3A_901 = arith.constant 3 : i32
        %max3A = vector.broadcast %jit3A : i32 to vector<16xi32>
        %max3A_902 = arith.maxsi %max3A, %get3A_900 : vector<16xi32>
        %min3A = vector.broadcast %jit3A_901 : i32 to vector<16xi32>
        %min3A_903 = arith.minsi %min3A, %max3A_902 : vector<16xi32>
        %get3A_904 = arith.index_cast %add3A_898 : i32 to index
        %get3A_905 = tpu.vector_load %arg8[%get3A_904] {strides = array<i32>} : memref<3200xi32, #tpu.memory_space<vmem>>, vector<16xi32>,
        %get3A_906 = vector.shape_cast %get3A_905 : vector<16xi32> to vector<16xi32>
        %jit3A_907 = arith.constant 0 : i32
        %jit3A_908 = arith.constant 7 : i32
        %max3A_909 = vector.broadcast %jit3A_907 : i32 to vector<16xi32>
        %max3A_910 = arith.maxsi %max3A_909, %get3A_906 : vector<16xi32>
        %min3A_911 = vector.broadcast %jit3A_908 : i32 to vector<16xi32>
        %min3A_912 = arith.minsi %min3A_911, %max3A_910 : vector<16xi32>
        %mul3A_913 = arith.constant 8 : i32
        %mul3A_914 = vector.broadcast %mul3A_913 : i32 to vector<16xi32>
        %mul3A_915 = arith.muli %min3A_903, %mul3A_914 : vector<16xi32>
        %add3A_916 = arith.addi %mul3A_915, %min3A_912 : vector<16xi32>
        %swap3A = arith.index_cast %add3A_898 : i32 to index
        %swap3A_917 = tpu.vector_load %arg9[%swap3A] {strides = array<i32>} : memref<3200xi32, #tpu.memory_space<vmem>>, vector<16xi32>,
        %swap3A_918 = vector.shape_cast %swap3A_917 : vector<16xi32> to vector<16xi32>
        %swap3A_919 = vector.shape_cast %add3A_916 : vector<16xi32> to vector<16xi32>
        tpu.vector_store %arg9[%swap3A], %swap3A_919 {strides = array<i32>} : memref<3200xi32, #tpu.memory_space<vmem>>, vector<16xi32>,
        %scan3A_920 = arith.constant 0 : i32
        scf.yield %scan3A_920 : i32
      }
      %scan3A_892 = arith.constant 25 : i32
    } else {
    }
    %mul3A_835 = arith.constant 400 : i32
    %mul3A_836 = arith.muli %add3A_751, %mul3A_835 : i32
    %mul3A_837 = arith.constant 400 : i32
    %mul3A_838 = arith.muli %add3A_751, %mul3A_837 : i32
    %add3A_839 = arith.constant 208 : i32
    %add3A_840 = arith.addi %mul3A_838, %add3A_839 : i32
    %lt3A_841 = arith.constant 250 : i32
    %lt3A_842 = arith.cmpi slt, %add3A_129, %lt3A_841 : i32
    %convert_element_type3A_843 = arith.extui %lt3A_842 : i1 to i32
    %cond3A_844 = arith.constant 0 : i32
    %cond3A_845 = arith.cmpi ne, %convert_element_type3A_843, %cond3A_844 : i32
    scf.if %cond3A_845 {
      %dma_wait3A_886 = arith.constant 0 : i32
      %dma_wait3A_887 = arith.constant 0 : i32
      %dma_wait3A_888 = tpu.memref_slice %arg11[%dma_wait3A_886, %dma_wait3A_887] : memref<400x128xf32, #tpu.memory_space<vmem>> -> memref<208x128xf32, #tpu.memory_space<vmem>>
      %dma_wait3A_889 = arith.constant 0 : i32
      %dma_wait3A_890 = tpu.memref_slice %arg5[%mul3A_745, %dma_wait3A_889] : memref<100000x128xf32, #tpu.memory_space<hbm>> -> memref<208x128xf32, #tpu.memory_space<hbm>>
      %dma_wait3A_891 = arith.constant 0 : i32
      %dma_wait3A_892 = tpu.memref_slice %arg5[%mul3A_745, %dma_wait3A_891] : memref<100000x128xf32, #tpu.memory_space<hbm>> -> memref<208x128xf32, #tpu.memory_space<hbm>>
      %dma_wait3A_893 = arith.constant 0 : i32
      %dma_wait3A_894 = arith.constant 0 : i32
      %dma_wait3A_895 = tpu.memref_slice %arg11[%dma_wait3A_893, %dma_wait3A_894] : memref<400x128xf32, #tpu.memory_space<vmem>> -> memref<208x128xf32, #tpu.memory_space<vmem>>
      tpu.wait_dma2 semaphore(%arg16 : memref<!tpu.dma_semaphore, #tpu.memory_space<semaphore_mem>>) src(%dma_wait3A_895 : memref<208x128xf32, #tpu.memory_space<vmem>>) dst(%dma_wait3A_892 : memref<208x128xf32, #tpu.memory_space<hbm>>)
      %dma_wait3A_896 = arith.constant 208 : i32
      %dma_wait3A_897 = arith.constant 0 : i32
      %dma_wait3A_898 = tpu.memref_slice %arg11[%dma_wait3A_896, %dma_wait3A_897] : memref<400x128xf32, #tpu.memory_space<vmem>> -> memref<192x128xf32, #tpu.memory_space<vmem>>
      %dma_wait3A_899 = arith.constant 0 : i32
      %dma_wait3A_900 = tpu.memref_slice %arg5[%add3A_749, %dma_wait3A_899] : memref<100000x128xf32, #tpu.memory_space<hbm>> -> memref<192x128xf32, #tpu.memory_space<hbm>>
      %dma_wait3A_901 = arith.constant 0 : i32
      %dma_wait3A_902 = tpu.memref_slice %arg5[%add3A_749, %dma_wait3A_901] : memref<100000x128xf32, #tpu.memory_space<hbm>> -> memref<192x128xf32, #tpu.memory_space<hbm>>
      %dma_wait3A_903 = arith.constant 208 : i32
      %dma_wait3A_904 = arith.constant 0 : i32
      %dma_wait3A_905 = tpu.memref_slice %arg11[%dma_wait3A_903, %dma_wait3A_904] : memref<400x128xf32, #tpu.memory_space<vmem>> -> memref<192x128xf32, #tpu.memory_space<vmem>>
      tpu.wait_dma2 semaphore(%arg16 : memref<!tpu.dma_semaphore, #tpu.memory_space<semaphore_mem>>) src(%dma_wait3A_905 : memref<192x128xf32, #tpu.memory_space<vmem>>) dst(%dma_wait3A_902 : memref<192x128xf32, #tpu.memory_space<hbm>>)
      %dma_start3A_906 = arith.constant 0 : i32
      %dma_start3A_907 = arith.constant 0 : i32
      %dma_start3A_908 = tpu.memref_slice %arg11[%dma_start3A_906, %dma_start3A_907] : memref<400x128xf32, #tpu.memory_space<vmem>> -> memref<208x128xf32, #tpu.memory_space<vmem>>
      %dma_start3A_909 = arith.constant 2800 : i32
      %dma_start3A_910 = tpu.memref_slice %arg9[%dma_start3A_909] : memref<3200xi32, #tpu.memory_space<vmem>> -> memref<208xi32, #tpu.memory_space<vmem>>
      %dma_start3A_911 = arith.constant 0 : i32
      %dma_start3A_912 = arith.constant 0 : i32
      %dma_start3A_913 = tpu.memref_slice %arg6[%dma_start3A_911, %dma_start3A_912] : memref<32x128xf32, #tpu.memory_space<vmem_shared>> -> memref<32x128xf32, #tpu.memory_space<vmem_shared>>
      tpu.enqueue_indirect_dma source(%dma_start3A_913 : memref<32x128xf32, #tpu.memory_space<vmem_shared>>) target(%dma_start3A_908 : memref<208x128xf32, #tpu.memory_space<vmem>>) offsets(%dma_start3A_910 : memref<208xi32, #tpu.memory_space<vmem>>) semaphore(%arg13 : memref<!tpu.dma_semaphore, #tpu.memory_space<semaphore_mem>>)
      %dma_wait3A_914 = arith.constant 0 : i32
      %dma_wait3A_915 = arith.constant 0 : i32
      %dma_wait3A_916 = tpu.memref_slice %arg11[%dma_wait3A_914, %dma_wait3A_915] : memref<400x128xf32, #tpu.memory_space<vmem>> -> memref<208x128xf32, #tpu.memory_space<vmem>>
      %dma_wait3A_917 = arith.constant 2800 : i32
      %dma_wait3A_918 = tpu.memref_slice %arg9[%dma_wait3A_917] : memref<3200xi32, #tpu.memory_space<vmem>> -> memref<208xi32, #tpu.memory_space<vmem>>
      %dma_wait3A_919 = arith.constant 0 : i32
      %dma_wait3A_920 = arith.constant 0 : i32
      %dma_wait3A_921 = tpu.memref_slice %arg6[%dma_wait3A_919, %dma_wait3A_920] : memref<32x128xf32, #tpu.memory_space<vmem_shared>> -> memref<32x128xf32, #tpu.memory_space<vmem_shared>>
      tpu.wait_indirect_dma semaphore(%arg13 : memref<!tpu.dma_semaphore, #tpu.memory_space<semaphore_mem>>) src(%dma_wait3A_921 : memref<32x128xf32, #tpu.memory_space<vmem_shared>>) dst(%dma_wait3A_916 : memref<208x128xf32, #tpu.memory_space<vmem>>)
      %mul3A_922 = arith.constant 400 : i32
      %mul3A_923 = arith.muli %add3A_129, %mul3A_922 : i32
      %dma_start3A_924 = arith.constant 0 : i32
      %dma_start3A_925 = arith.constant 0 : i32
      %dma_start3A_926 = tpu.memref_slice %arg11[%dma_start3A_924, %dma_start3A_925] : memref<400x128xf32, #tpu.memory_space<vmem>> -> memref<208x128xf32, #tpu.memory_space<vmem>>
      %dma_start3A_927 = arith.constant 0 : i32
      %dma_start3A_928 = tpu.memref_slice %arg5[%mul3A_923, %dma_start3A_927] : memref<100000x128xf32, #tpu.memory_space<hbm>> -> memref<208x128xf32, #tpu.memory_space<hbm>>
      %dma_start3A_929 = arith.constant 0 : i32
      %dma_start3A_930 = tpu.memref_slice %arg5[%mul3A_923, %dma_start3A_929] : memref<100000x128xf32, #tpu.memory_space<hbm>> -> memref<208x128xf32, #tpu.memory_space<hbm>>
      %dma_start3A_931 = arith.constant 0 : i32
      %dma_start3A_932 = arith.constant 0 : i32
      %dma_start3A_933 = tpu.memref_slice %arg11[%dma_start3A_931, %dma_start3A_932] : memref<400x128xf32, #tpu.memory_space<vmem>> -> memref<208x128xf32, #tpu.memory_space<vmem>>
      tpu.enqueue_dma source(%dma_start3A_933 : memref<208x128xf32, #tpu.memory_space<vmem>>) target(%dma_start3A_930 : memref<208x128xf32, #tpu.memory_space<hbm>>) target_semaphore(%arg16 : memref<!tpu.dma_semaphore, #tpu.memory_space<semaphore_mem>>)
      %dma_start3A_934 = arith.constant 208 : i32
      %dma_start3A_935 = arith.constant 0 : i32
      %dma_start3A_936 = tpu.memref_slice %arg11[%dma_start3A_934, %dma_start3A_935] : memref<400x128xf32, #tpu.memory_space<vmem>> -> memref<192x128xf32, #tpu.memory_space<vmem>>
      %dma_start3A_937 = arith.constant 3008 : i32
      %dma_start3A_938 = tpu.memref_slice %arg9[%dma_start3A_937] : memref<3200xi32, #tpu.memory_space<vmem>> -> memref<192xi32, #tpu.memory_space<vmem>>
      %dma_start3A_939 = arith.constant 0 : i32
      %dma_start3A_940 = arith.constant 0 : i32
      %dma_start3A_941 = tpu.memref_slice %arg6[%dma_start3A_939, %dma_start3A_940] : memref<32x128xf32, #tpu.memory_space<vmem_shared>> -> memref<32x128xf32, #tpu.memory_space<vmem_shared>>
      tpu.enqueue_indirect_dma source(%dma_start3A_941 : memref<32x128xf32, #tpu.memory_space<vmem_shared>>) target(%dma_start3A_936 : memref<192x128xf32, #tpu.memory_space<vmem>>) offsets(%dma_start3A_938 : memref<192xi32, #tpu.memory_space<vmem>>) semaphore(%arg14 : memref<!tpu.dma_semaphore, #tpu.memory_space<semaphore_mem>>)
      %dma_wait3A_942 = arith.constant 208 : i32
      %dma_wait3A_943 = arith.constant 0 : i32
      %dma_wait3A_944 = tpu.memref_slice %arg11[%dma_wait3A_942, %dma_wait3A_943] : memref<400x128xf32, #tpu.memory_space<vmem>> -> memref<192x128xf32, #tpu.memory_space<vmem>>
      %dma_wait3A_945 = arith.constant 3008 : i32
      %dma_wait3A_946 = tpu.memref_slice %arg9[%dma_wait3A_945] : memref<3200xi32, #tpu.memory_space<vmem>> -> memref<192xi32, #tpu.memory_space<vmem>>
      %dma_wait3A_947 = arith.constant 0 : i32
      %dma_wait3A_948 = arith.constant 0 : i32
      %dma_wait3A_949 = tpu.memref_slice %arg6[%dma_wait3A_947, %dma_wait3A_948] : memref<32x128xf32, #tpu.memory_space<vmem_shared>> -> memref<32x128xf32, #tpu.memory_space<vmem_shared>>
      tpu.wait_indirect_dma semaphore(%arg14 : memref<!tpu.dma_semaphore, #tpu.memory_space<semaphore_mem>>) src(%dma_wait3A_949 : memref<32x128xf32, #tpu.memory_space<vmem_shared>>) dst(%dma_wait3A_944 : memref<192x128xf32, #tpu.memory_space<vmem>>)
      %mul3A_950 = arith.constant 400 : i32
      %mul3A_951 = arith.muli %add3A_129, %mul3A_950 : i32
      %add3A_952 = arith.constant 208 : i32
      %add3A_953 = arith.addi %mul3A_951, %add3A_952 : i32
      %dma_start3A_954 = arith.constant 208 : i32
      %dma_start3A_955 = arith.constant 0 : i32
      %dma_start3A_956 = tpu.memref_slice %arg11[%dma_start3A_954, %dma_start3A_955] : memref<400x128xf32, #tpu.memory_space<vmem>> -> memref<192x128xf32, #tpu.memory_space<vmem>>
      %dma_start3A_957 = arith.constant 0 : i32
      %dma_start3A_958 = tpu.memref_slice %arg5[%add3A_953, %dma_start3A_957] : memref<100000x128xf32, #tpu.memory_space<hbm>> -> memref<192x128xf32, #tpu.memory_space<hbm>>
      %dma_start3A_959 = arith.constant 0 : i32
      %dma_start3A_960 = tpu.memref_slice %arg5[%add3A_953, %dma_start3A_959] : memref<100000x128xf32, #tpu.memory_space<hbm>> -> memref<192x128xf32, #tpu.memory_space<hbm>>
      %dma_start3A_961 = arith.constant 208 : i32
      %dma_start3A_962 = arith.constant 0 : i32
      %dma_start3A_963 = tpu.memref_slice %arg11[%dma_start3A_961, %dma_start3A_962] : memref<400x128xf32, #tpu.memory_space<vmem>> -> memref<192x128xf32, #tpu.memory_space<vmem>>
      tpu.enqueue_dma source(%dma_start3A_963 : memref<192x128xf32, #tpu.memory_space<vmem>>) target(%dma_start3A_960 : memref<192x128xf32, #tpu.memory_space<hbm>>) target_semaphore(%arg16 : memref<!tpu.dma_semaphore, #tpu.memory_space<semaphore_mem>>)
    } else {
    }
    %dma_wait3A_846 = arith.constant 0 : i32
    %dma_wait3A_847 = arith.constant 0 : i32
    %dma_wait3A_848 = tpu.memref_slice %arg10[%dma_wait3A_846, %dma_wait3A_847] : memref<400x128xf32, #tpu.memory_space<vmem>> -> memref<208x128xf32, #tpu.memory_space<vmem>>
    %dma_wait3A_849 = arith.constant 0 : i32
    %dma_wait3A_850 = tpu.memref_slice %arg5[%mul3A_836, %dma_wait3A_849] : memref<100000x128xf32, #tpu.memory_space<hbm>> -> memref<208x128xf32, #tpu.memory_space<hbm>>
    %dma_wait3A_851 = arith.constant 0 : i32
    %dma_wait3A_852 = tpu.memref_slice %arg5[%mul3A_836, %dma_wait3A_851] : memref<100000x128xf32, #tpu.memory_space<hbm>> -> memref<208x128xf32, #tpu.memory_space<hbm>>
    %dma_wait3A_853 = arith.constant 0 : i32
    %dma_wait3A_854 = arith.constant 0 : i32
    %dma_wait3A_855 = tpu.memref_slice %arg10[%dma_wait3A_853, %dma_wait3A_854] : memref<400x128xf32, #tpu.memory_space<vmem>> -> memref<208x128xf32, #tpu.memory_space<vmem>>
    tpu.wait_dma2 semaphore(%arg15 : memref<!tpu.dma_semaphore, #tpu.memory_space<semaphore_mem>>) src(%dma_wait3A_855 : memref<208x128xf32, #tpu.memory_space<vmem>>) dst(%dma_wait3A_852 : memref<208x128xf32, #tpu.memory_space<hbm>>)
    %dma_wait3A_856 = arith.constant 208 : i32
    %dma_wait3A_857 = arith.constant 0 : i32
    %dma_wait3A_858 = tpu.memref_slice %arg10[%dma_wait3A_856, %dma_wait3A_857] : memref<400x128xf32, #tpu.memory_space<vmem>> -> memref<192x128xf32, #tpu.memory_space<vmem>>
    %dma_wait3A_859 = arith.constant 0 : i32
    %dma_wait3A_860 = tpu.memref_slice %arg5[%add3A_840, %dma_wait3A_859] : memref<100000x128xf32, #tpu.memory_space<hbm>> -> memref<192x128xf32, #tpu.memory_space<hbm>>
    %dma_wait3A_861 = arith.constant 0 : i32
    %dma_wait3A_862 = tpu.memref_slice %arg5[%add3A_840, %dma_wait3A_861] : memref<100000x128xf32, #tpu.memory_space<hbm>> -> memref<192x128xf32, #tpu.memory_space<hbm>>
    %dma_wait3A_863 = arith.constant 208 : i32
    %dma_wait3A_864 = arith.constant 0 : i32
    %dma_wait3A_865 = tpu.memref_slice %arg10[%dma_wait3A_863, %dma_wait3A_864] : memref<400x128xf32, #tpu.memory_space<vmem>> -> memref<192x128xf32, #tpu.memory_space<vmem>>
    tpu.wait_dma2 semaphore(%arg15 : memref<!tpu.dma_semaphore, #tpu.memory_space<semaphore_mem>>) src(%dma_wait3A_865 : memref<192x128xf32, #tpu.memory_space<vmem>>) dst(%dma_wait3A_862 : memref<192x128xf32, #tpu.memory_space<hbm>>)
    %dma_wait3A_866 = arith.constant 0 : i32
    %dma_wait3A_867 = arith.constant 0 : i32
    %dma_wait3A_868 = tpu.memref_slice %arg11[%dma_wait3A_866, %dma_wait3A_867] : memref<400x128xf32, #tpu.memory_space<vmem>> -> memref<208x128xf32, #tpu.memory_space<vmem>>
    %dma_wait3A_869 = arith.constant 0 : i32
    %dma_wait3A_870 = tpu.memref_slice %arg5[%mul3A_745, %dma_wait3A_869] : memref<100000x128xf32, #tpu.memory_space<hbm>> -> memref<208x128xf32, #tpu.memory_space<hbm>>
    %dma_wait3A_871 = arith.constant 0 : i32
    %dma_wait3A_872 = tpu.memref_slice %arg5[%mul3A_745, %dma_wait3A_871] : memref<100000x128xf32, #tpu.memory_space<hbm>> -> memref<208x128xf32, #tpu.memory_space<hbm>>
    %dma_wait3A_873 = arith.constant 0 : i32
    %dma_wait3A_874 = arith.constant 0 : i32
    %dma_wait3A_875 = tpu.memref_slice %arg11[%dma_wait3A_873, %dma_wait3A_874] : memref<400x128xf32, #tpu.memory_space<vmem>> -> memref<208x128xf32, #tpu.memory_space<vmem>>
    tpu.wait_dma2 semaphore(%arg16 : memref<!tpu.dma_semaphore, #tpu.memory_space<semaphore_mem>>) src(%dma_wait3A_875 : memref<208x128xf32, #tpu.memory_space<vmem>>) dst(%dma_wait3A_872 : memref<208x128xf32, #tpu.memory_space<hbm>>)
    %dma_wait3A_876 = arith.constant 208 : i32
    %dma_wait3A_877 = arith.constant 0 : i32
    %dma_wait3A_878 = tpu.memref_slice %arg11[%dma_wait3A_876, %dma_wait3A_877] : memref<400x128xf32, #tpu.memory_space<vmem>> -> memref<192x128xf32, #tpu.memory_space<vmem>>
    %dma_wait3A_879 = arith.constant 0 : i32
    %dma_wait3A_880 = tpu.memref_slice %arg5[%add3A_749, %dma_wait3A_879] : memref<100000x128xf32, #tpu.memory_space<hbm>> -> memref<192x128xf32, #tpu.memory_space<hbm>>
    %dma_wait3A_881 = arith.constant 0 : i32
    %dma_wait3A_882 = tpu.memref_slice %arg5[%add3A_749, %dma_wait3A_881] : memref<100000x128xf32, #tpu.memory_space<hbm>> -> memref<192x128xf32, #tpu.memory_space<hbm>>
    %dma_wait3A_883 = arith.constant 208 : i32
    %dma_wait3A_884 = arith.constant 0 : i32
    %dma_wait3A_885 = tpu.memref_slice %arg11[%dma_wait3A_883, %dma_wait3A_884] : memref<400x128xf32, #tpu.memory_space<vmem>> -> memref<192x128xf32, #tpu.memory_space<vmem>>
    tpu.wait_dma2 semaphore(%arg16 : memref<!tpu.dma_semaphore, #tpu.memory_space<semaphore_mem>>) src(%dma_wait3A_885 : memref<192x128xf32, #tpu.memory_space<vmem>>) dst(%dma_wait3A_882 : memref<192x128xf32, #tpu.memory_space<hbm>>)
    return
  }
}

</mosaic_0001>

<sc_bundles>
// kernel: kernel.3.cloned.1.call-start
scs
__scs_entry_jumppad:
0x0: {  	(pc) =	sbr.rel $0x88, $3  }
0x1: {  	(tag) =	ssettag $0x0;
	lr =	simm.s32 $0x1  }
0x2: {  	[smem:$0x3F9E] =	sst lr;
	_ =	strace $0xD0000000  }
0x3: {  	_ = 	snop  }
0x4: {  	_ = 	snop  }
0x5: {  	_ = 	snop  }
0x6: {  	_ = 	snop  }
0x7: {  	_ = 	snop  }
__scs_overlays_trampoline_lowered:
0x8: {  	[smem:$0x3FAD] =	sst s0  }
0x9: {  	[smem:$0x3FAE] =	sst s1  }
0xa: {  	[smem:$0x3FAF] =	sst s2  }
0xb: {  	[smem:$0x3FB0] =	sst s3  }
0xc: {  	[smem:$0x3FB1] =	sst s4  }
0xd: {  	[smem:$0x3FB2] =	sst s5  }
0xe: {  	[smem:$0x3FB3] =	sst s6  }
0xf: {  	[smem:$0x3FB4] =	sst s7  }
0x10: {  	[smem:$0x3FB5] =	sst s8  }
0x11: {  	[smem:$0x3FB6] =	sst s9;
	s0 =	simm.s32 @!p0 $0x0  }
0x12: {  	s1 =	sld [smem:$0x3F9C];
	s0 =	simm.s32 @p0 $0x1  }
0x13: {  	[smem:$0x3FB7] =	sst s0;
	s0 =	simm.s32 @!p1 $0x0  }
0x14: {  	s2 =	sld [smem:$0x3F9B];
	s0 =	simm.s32 @p1 $0x1  }
0x15: {  	[smem:$0x3FB8] =	sst s0;
	s0 =	simm.s32 @!p2 $0x0  }
0x16: {  	s3 =	sld [smem:$0x3FDB];
	s0 =	simm.s32 @p2 $0x1  }
0x17: {  	s4 =	simm.s32 $0x1BF5;
	[smem:$0x3FBA] =	sst s0  }
0x18: {  	s0 =	sld [smem:$0x3F9D];
	_ =	swait.ge [sflag:s4], $0x0  }
0x19: {  	s7 =	sld [smem:$0x3F9E]  }
0x1a: {  	s8 =	sadd.s32 $0xFFFFE003, lr  }
0x1b: {  	s9 =	sadd.s32 $0xFFFFFEF7, lr;
	s5 =	simm.s32 $0xFFFFFFFF;
	p2 =	slt.u32 s8, $0xFFFFF086  }
0x1c: {  	p1 =	slt.u32 s9, $0xF7A;
	s5 =	simm.s32 @!p2 $0x0  }
0x1d: {  	s5 =	simm.s32 @p1 $0x1;
	p0 =	seq.s32 s7, s2  }
0x1e: {  	s7 =	smul.u32 @!p0 $0xF7A, s2;
	p2 =	seq.s32 @!p0 s5, $0x0  }
0x1f: {  	s9 =	smul.u32 $0xF7A, s1;
	s8 =	simm.s32 @!p0 $0x1BF5;
	p2 =	por !p2, p0  }
0x20: {  	[sflag:s8] =	ssyncset.s32 @!p0 $0xFFFFF086;
	s6 =	sadd.s32 @!p0 s3, s7;
	s7 =	simm.s32 @!p0 $0x108  }
0x21: {  	s3 =	sadd.s32 s3, s9;
	s6 =	sadd.s32 @!p0 $0x88, s6;
	s7 =	simm.s32 @p2 $0x1082  }
0x22: {  	[simem:s7], [sflag:s8] =	dma.local @!p0 [hbm:s6], $0xF7A  }
0x23: {  	s9 =	sor.u32 $0xD0000000, s2;
	s6 =	simm.s32 $0x108;
	_ =	swait.ge @!p0 [sflag:s8], $0x0  }
0x24: {  	s3 =	sadd.s32 $0x88, s3;
	s6 =	simm.s32 @!p1 $0x1082;
	[sflag:s4] =	ssyncset.s32 $0xFFFFF086  }
0x25: {  	[simem:s6], [sflag:s4] =	dma.local [hbm:s3], $0xF7A  }
0x26: {  	[smem:$0x3F9E] =	sst s1;
	(tag) =	ssettag s2;
	_ =	strace s9  }
0x27: {  	s1 =	sld [smem:$0x3FAE]  }
0x28: {  	s2 =	sld [smem:$0x3FAF]  }
0x29: {  	s4 =	sld [smem:$0x3FB1]  }
0x2a: {  	p0 =	seq.s32 s5, $0x0;
	s5 =	sld [smem:$0x3FB2]  }
0x2b: {  	s6 =	sld [smem:$0x3FB3]  }
0x2c: {  	s7 =	sld [smem:$0x3FB4]  }
0x2d: {  	s3 =	simm.s32 $0x108;
	s8 =	sld [smem:$0x3FB5]  }
0x2e: {  	s3 =	simm.s32 @!p0 $0x1082;
	s9 =	sld [smem:$0x3FB6]  }
0x2f: {  	lr =	sadd.s32 s0, s3;
	s0 =	sld [smem:$0x3FAD]  }
0x30: {  	s3 =	sld [smem:$0x3FB0]  }
0x31: {  	[smem:$0x3FB9] =	sst s10  }
0x32: {  	s10 =	sld [smem:$0x3FB7];
	_ =	sdelay $0x3  }
0x33: {  	p0 =	seq.s32 s10, $0x1;
	s10 =	sld [smem:$0x3FB9];
	_ =	sdelay $0x3  }
0x34: {  	[smem:$0x3FB9] =	sst s10  }
0x35: {  	s10 =	sld [smem:$0x3FB8];
	_ =	sdelay $0x3  }
0x36: {  	p1 =	seq.s32 s10, $0x1;
	s10 =	sld [smem:$0x3FB9];
	_ =	sdelay $0x3  }
0x37: {  	[smem:$0x3FB9] =	sst s10  }
0x38: {  	s10 =	sld [smem:$0x3FBA]  }
0x39: {  	_ = 	snop;
	(pc) =	sbr.ind lr, $3  }
0x3a: {  	_ = 	snop  }
0x3b: {  	_ = 	snop  }
0x3c: {  	p2 =	seq.s32 s10, $0x1;
	s10 =	sld [smem:$0x3FB9]  }
0x3d: {  	_ =	shalt  }
0x3e: {  	_ =	shalt  }
0x3f: {  	_ =	shalt  }
0x40: {  	_ =	shalt  }
0x41: {  	_ =	shalt  }
0x42: {  	_ =	shalt  }
0x43: {  	_ =	shalt  }
0x44: {  	_ =	shalt  }
0x45: {  	_ =	shalt  }
0x46: {  	_ =	shalt  }
0x47: {  	_ =	shalt  }
0x48: {  	_ =	shalt  }
0x49: {  	_ =	shalt  }
0x4a: {  	_ =	shalt  }
0x4b: {  	_ =	shalt  }
0x4c: {  	_ =	shalt  }
0x4d: {  	_ =	shalt  }
0x4e: {  	_ =	shalt  }
0x4f: {  	_ =	shalt  }
0x50: {  	_ =	shalt  }
0x51: {  	_ =	shalt  }
0x52: {  	_ =	shalt  }
0x53: {  	_ =	shalt  }
0x54: {  	_ =	shalt  }
0x55: {  	_ =	shalt  }
0x56: {  	_ =	shalt  }
0x57: {  	_ =	shalt  }
0x58: {  	_ =	shalt  }
0x59: {  	_ =	shalt  }
0x5a: {  	_ =	shalt  }
0x5b: {  	_ =	shalt  }
0x5c: {  	_ =	shalt  }
0x5d: {  	_ =	shalt  }
0x5e: {  	_ =	shalt  }
0x5f: {  	_ =	shalt  }
0x60: {  	_ =	shalt  }
0x61: {  	_ =	shalt  }
0x62: {  	_ =	shalt  }
0x63: {  	_ =	shalt  }
0x64: {  	_ =	shalt  }
0x65: {  	_ =	shalt  }
0x66: {  	_ =	shalt  }
0x67: {  	_ =	shalt  }
0x68: {  	_ =	shalt  }
0x69: {  	_ =	shalt  }
0x6a: {  	_ =	shalt  }
0x6b: {  	_ =	shalt  }
0x6c: {  	_ =	shalt  }
0x6d: {  	_ =	shalt  }
0x6e: {  	_ =	shalt  }
0x6f: {  	_ =	shalt  }
0x70: {  	_ =	shalt  }
0x71: {  	_ =	shalt  }
0x72: {  	_ =	shalt  }
0x73: {  	_ =	shalt  }
0x74: {  	_ =	shalt  }
0x75: {  	_ =	shalt  }
0x76: {  	_ =	shalt  }
0x77: {  	_ =	shalt  }
0x78: {  	_ =	shalt  }
0x79: {  	_ =	shalt  }
0x7a: {  	_ =	shalt  }
0x7b: {  	_ =	shalt  }
0x7c: {  	_ =	shalt  }
0x7d: {  	_ =	shalt  }
0x7e: {  	_ =	shalt  }
0x7f: {  	_ =	shalt  }
0x80: {  	_ =	shalt  }
0x81: {  	_ =	shalt  }
0x82: {  	_ =	shalt  }
0x83: {  	_ =	shalt  }
0x84: {  	_ =	shalt  }
0x85: {  	_ =	shalt  }
0x86: {  	_ =	shalt  }
0x87: {  	_ =	shalt  }
.Lfunc_end0:
.L_simem_size_0:
called_computation_lowered:
.L_overlay_start_0:
0x88: {  	s2 =	sld [smem:$0x3FD9]  }
0x89: {  	s3 =	sld [smem:$0x3FFE];
	_ =	sdelay $0x1  }
0x8a: {  	s1 =	srdreg.scid  }
0x8b: {  	s0 =	sand.u32 $0x1, s1  }
0x8c: {  	s17 =	sshll.u32 s0, $0xA;
	s2 =	sadd.s32 s3, s2  }
0x8d: {  	s2 =	sadd.s32 s2, s17  }
0x8e: {  	[smem:$0x3FC5] =	sst s2  }
0x8f: {  	_ = 	snop  }
0x90: {  	s2 =	sld [smem:$0x3FD0];
	(tm) =	ssettm $0x1  }
0x91: {  	s18 =	sld [smem:$0x3FFB];
	_ =	sdelay $0x3  }
0x92: {  	_ =	strace s18  }
0x93: {  	s3 =	sld [smem:$0x3FFC];
	_ =	sdelay $0x3  }
0x94: {  	_ =	strace s3  }
0x95: {  	s3 =	sld [smem:$0x3FFD];
	_ =	sdelay $0x3  }
0x96: {  	_ =	strace s3  }
0x97: {  	_ =	strace $0x8FFFFFFF  }
0x98: {  	s19 =	sld [smem:$0x3FDB];
	_ =	sdelay $0x1  }
0x99: {  	s4 =	simm.s32 $_scs_section_size  }
0x9a: {  	s5 =	simm.s32 $_size__tile_overlayer_lowered;
	s6 =	simm.s32 $_tile_overlayer_lowered  }
0x9b: {  	s22 =	simm.s32 $0x1BFF;
	s21 =	sshll.u32 s6, $0x1;
	s3 =	sadd.s32 s4, s19  }
0x9c: {  	s7 =	simm.s32 $0x0;
	s20 =	sshll.u32 s5, $0x1;
	s5 =	sadd.s32 s21, s3  }
0x9d: {  	[timem:s7], [sflag:s22] =	dma.local [hbm:s5], s20  }
0x9e: {  	_ =	swait.ge [sflag:s22], s20  }
0x9f: {  	s4 =	ssub.s32 $0x0, s20;
	[sflag:s22] =	ssyncset.done $0x0  }
0xa0: {  	[sflag:s22] =	ssyncadd.s32 s4;
	_ =	sdelay $0x1  }
0xa1: {  	s23 =	simm.s32 $0x1B8B  }
0xa2: {  	_ =	swait.ge [sflag:s23], $0x1  }
0xa3: {  	[sflag:s23] =	ssyncset.done $0x0  }
0xa4: {  	s25 =	simm.s32 $0x1B8E;
	s24 =	sld [smem:$0x3FFE];
	[sflag:s23] =	ssyncadd.s32 $0xFFFFFFFF  }
0xa5: {  	s26 =	simm.s32 $execute0_lowered;
	[smem:$0x3FD2] =	sst s25  }
0xa6: {  	s5 =	sshll.u32 s26, $0x1;
	_ =	strace $0x80000046;
	[dreg:$0x1] =	wrdreg $0xFFFFFFFF  }
0xa7: {  	s28 =	simm.s32 $_size_execute0_lowered;
	s3 =	sadd.s32 s3, s5;
	[dreg:$0x0] =	wrdreg $0x0  }
0xa8: {  	s5 =	sshll.u32 s28, $0x1;
	[dreg:$0x2] =	wrdreg s3  }
0xa9: {  	[dreg:$0x3] =	wrdreg s5  }
0xaa: {  	[dreg:$0x4] =	wrdreg $0xC0  }
0xab: {  	_ =	task [dreg:s7], $0x5FFFF  }
0xac: {  	[dreg:$0x1] =	wrdreg $0xFFFFFFFF  }
0xad: {  	[dreg:$0x0] =	wrdreg $0x60  }
0xae: {  	[dreg:$0x2] =	wrdreg s24  }
0xaf: {  	[dreg:$0x3] =	wrdreg s2  }
0xb0: {  	[dreg:$0x4] =	wrdreg $0x0  }
0xb1: {  	[dreg:$0x5] =	wrdreg $0x9  }
0xb2: {  	_ =	task.clear_ibuf [dreg:s7], $0x6FFFF;
	_ =	strace $0x90000046  }
0xb3: {  	s29 =	simm.s32 $0x9;
	_ =	strace $0x80000048  }
0xb4: {  	_ =	swait.ge [sflag:s29], $0x1  }
0xb5: {  	[sflag:s29] =	ssyncadd.s32 $0xFFFFFFFF  }
0xb6: {  	_ =	strace $0x90000048  }
0xb7: {  	_ =	sfence  }
0xb8: {  	s30 =	sld [smem:$0x0];
	_ =	sdelay $0x2  }
0xb9: {  	s31 =	sshll.u32 s1, $0xD;
	s1 =	sshrl.u32 s1, $0x2  }
0xba: {  	s3 =	sand.u32 $0x4000, s31;
	s1 =	sadd.s32 s1, s30  }
0xbb: {  	s0 =	sor.u32 s3, s0;
	s1 =	sshll.u32 s1, $0x11  }
0xbc: {  	s0 =	sor.u32 s1, s0  }
0xbd: {  	s0 =	sadd.s32 $0x8F2B, s0  }
0xbe: {  	[sflag:s0] =	ssyncadd.remote.s32 $0x1  }
0xbf: {  	_ =	sfence.sel $0xFFFF  }
0xc0: {  	[dreg:$0x0] =	wrdreg $0xFFFFFFFF;
	(pc) =	sbr.abs _section_cstart, $3  }
0xc1: {  	[dreg:$0x1] =	wrdreg $0xFFFFFFFF  }
0xc2: {  	_ =	task.clear_ibuf [dreg:s7], $0x2FFFF;
	_ =	strace $0x9FFFFFFF  }
0xc3: {  	(tm) =	ssettm $0x7FFFFFFF  }
tec
execute0_lowered:
.L_overlay_start_1:
0x0: {  	(tag) =	ssettag $0x1  }
0x1: {  	s0 =	rddreg [dreg:$0x0]  }
0x2: {  	s3 =	rddreg [dreg:$0x1];
	s2 =	srdreg.scid  }
0x3: {  	s4 =	stileid.u32;
	s1 =	rddreg [dreg:$0x2];
	s5 =	sand.u32 $0x1, s2  }
0x4: {  	s6 =	sshll.u32 s4, $0x1;
	s2 =	simm.s32 $0x0;
	s8 =	sadd.s32 $0x3200, s0  }
0x5: {  	p0 =	sne.s32 s4, $0x0;
	p1 =	sgt.u32 s4, $0xC;
	s6 =	sor.u32 s5, s6  }
0x6: {  	s28 =	sadd.s32 $0x6400, s0;
	s5 =	ssub.s32 $0x2, s5;
	s7 =	smul.u32 $0x190, s6  }
0x7: {  	[smem:$0x7FF] =	sst s2;
	s9 =	sshrl.u32 s5, $0x1;
	s13 =	smul.u32 $0xC800, s6  }
0x8: {  	_ =	strace $0x80000047;
	s16 =	smul.u32 $0x1900, s6;
	s5 =	ssub.s32 s5, s9  }
0x9: {  	s9 =	smul.u32 $0x32, s6;
	s6 =	sor.u32 $0xE0, s6;
	s10 =	sadd.s32 $0x3200, s7  }
0xa: {  	s11 =	sadd.s32 $0x6400, s7;
	s12 =	sadd.s32 $0x9600, s7;
	s14 =	sadd.s32 $0xC800, s7  }
0xb: {  	s15 =	sadd.s32 $0xFA00, s7;
	s7 =	sadd.s32 $0x12C00, s7;
	s25 =	smul.u32 $0x1900, s6  }
0xc: {  	s13 =	sshrl.u32 s13, $0x3;
	s16 =	sadd.s32 s3, s16;
	s19 =	smul.u32 $0xC800, s6  }
0xd: {  	s6 =	smul.u32 $0x32, s6;
	s5 =	smax.u32 s5, $0x1;
	[dreg:$0x4] =	wrdreg s16  }
0xe: {  	s13 =	sadd.s32 s3, s13;
	s22 =	sshll.u32 s10, $0x4;
	s23 =	sshll.u32 s11, $0x4  }
0xf: {  	s17 =	sshll.u32 s12, $0x4;
	s26 =	sshll.u32 s14, $0x4;
	s18 =	sshll.u32 s15, $0x4  }
0x10: {  	s21 =	sshll.u32 s7, $0x4;
	s14 =	sshrl.u32 s14, $0x3;
	s16 =	sadd.s32 s3, s22  }
0x11: {  	s24 =	sadd.s32 s3, s17;
	s17 =	sadd.s32 s3, s26;
	s20 =	sadd.s32 s3, s18  }
0x12: {  	s22 =	sshrl.u32 s19, $0x3;
	s18 =	sshrl.u32 s15, $0x3;
	[dreg:$0x5] =	wrdreg s16  }
0x13: {  	s19 =	sshrl.u32 s7, $0x3;
	s29 =	sadd.s32 $0xD00, s13;
	[dreg:$0x7] =	wrdreg s24  }
0x14: {  	s30 =	sadd.s32 $0x32D00, s13;
	s31 =	sadd.s32 $0x64D00, s13;
	[dreg:$0x8] =	wrdreg s17  }
0x15: {  	s4 =	sadd.s32 $0x12CD00, s13;
	s16 =	sadd.s32 s3, s23;
	[dreg:$0x9] =	wrdreg s20  }
0x16: {  	s7 =	simm.s32 $0xD0;
	s17 =	sadd.s32 s3, s21;
	[dreg:$0x6] =	wrdreg s16  }
0x17: {  	s15 =	simm.s32 $0x15680;
	s23 =	sadd.s32 s8, s9;
	[dreg:$0xa] =	wrdreg s17  }
0x18: {  	s24 =	sadd.s32 s0, s9;
	s9 =	sshrl.u32 s11, $0x3;
	[dreg:$0xc] =	wrdreg s23  }
0x19: {  	s11 =	sshrl.u32 s12, $0x3;
	s20 =	sadd.s32 s8, s18;
	[dreg:$0xd] =	wrdreg s24  }
0x1a: {  	s16 =	sadd.s32 s3, s25;
	s25 =	sshrl.u32 s10, $0x3;
	[dreg:$0x16] =	wrdreg s20  }
0x1b: {  	s10 =	sadd.s32 s8, s9;
	s12 =	sadd.s32 s8, s11;
	[dreg:$0xb] =	wrdreg s16  }
0x1c: {  	s17 =	sadd.s32 s8, s14;
	s23 =	sadd.s32 s8, s19;
	[dreg:$0x10] =	wrdreg s10  }
0x1d: {  	s24 =	sadd.s32 s0, s19;
	s16 =	sadd.s32 s3, s22;
	[dreg:$0x12] =	wrdreg s12  }
0x1e: {  	s26 =	sadd.s32 s8, s25;
	s3 =	sadd.s32 s0, s25;
	[dreg:$0x14] =	wrdreg s17  }
0x1f: {  	s22 =	sadd.s32 s0, s18;
	s25 =	sadd.s32 s8, s6;
	s10 =	sadd.s32 $0xC8D00, s13  }
0x20: {  	s8 =	simm.s32 $0x2680;
	s12 =	simm.s32 $0x8E80;
	[dreg:$0xe] =	wrdreg s26  }
0x21: {  	s17 =	simm.s32 $0x5;
	s18 =	simm.s32 $0x0;
	[dreg:$0xf] =	wrdreg s3  }
0x22: {  	s3 =	sadd.s32 s0, s9;
	s26 =	sadd.s32 s0, s6;
	s21 =	sadd.s32 $0xD00, s16  }
.Ltmp0:
0x23: {  	s6 =	simm.s32 $0x3;
	[dreg:$0x11] =	wrdreg s3;
	(pc) =	sbr.rel .LBB2_1-.Ltmp0, $4  }
0x24: {  	s9 =	simm.s32 $0x2;
	s3 =	sadd.s32 s0, s11;
	[dreg:$0x17] =	wrdreg s21  }
0x25: {  	s16 =	simm.s32 $0x4;
	s11 =	simm.s32 $0xC0;
	[dreg:$0x13] =	wrdreg s3  }
0x26: {  	s3 =	sadd.s32 s0, s14;
	s0 =	sadd.s32 $0x96D00, s13;
	s14 =	simm.s32 $0xEE80  }
0x27: {  	[dreg:$0x15] =	wrdreg s3;
	s3 =	sadd.s32 $0xFAD00, s13;
	s13 =	simm.s32 $0x1  }
.LBB2_18:
0x28: {  	vm0 =	vgt.s32 v1, $0x0  }
0x29: {  	vm15 =	vgt.s32 v0, $0x0;
	v1 =	vnsel vm0, $0x0, v1  }
0x2a: {  	v0 =	vnsel vm15, $0x0, v0;
	v1 =	vmin.u32 v1, $0x3  }
0x2b: {  	v0 =	vmin.u32 v0, $0x7;
	v1 =	vshll.u32 v1, $0x3  }
0x2c: {  	v0 =	vor.u32 v0, v1  }
0x2d: {  	[tilespmem:s19+$0x24F0] =	vst v0  }
0x2e: {  	_ =	swait.ge [sflag:s17], $0x6800  }
0x2f: {  	[sflag:s17] =	ssyncset.done $0x0  }
0x30: {  	[sflag:s17] =	ssyncadd.s32 $0xFFFF9800  }
0x31: {  	_ =	swait.ge [sflag:s17], $0x6000  }
0x32: {  	[sflag:s17] =	ssyncset.done $0x0  }
0x33: {  	s20 =	simm.s32 $0x24F0;
	[sflag:s17] =	ssyncadd.s32 $0xFFFFA000  }
0x34: {  	[tilespmem:s14], [sflag:$0x2] =	stream.indirect.gather [spmem:s1], $0x80, s20, s7, $0xb8;
	[tilespmem:$0x1B680] =	vst v63  }
0x35: {  	_ =	swait.ge [sflag:s9], $0x6800  }
0x36: {  	[sflag:s9] =	ssyncset.done $0x0  }
0x37: {  	s21 =	rddreg [dreg:$0xb];
	[sflag:s9] =	ssyncadd.s32 $0xFFFF9800  }
0x38: {  	[hbm4b:s21+s2] =	stream.linear.scatter [tilespmem:s14], [sflag:$0x5], $0x6800, $0x38;
	[tilespmem:$0x1B680] =	vst v63  }
0x39: {  	s20 =	simm.s32 $0x25C0  }
0x3a: {  	[tilespmem:s15], [sflag:$0x3] =	stream.indirect.gather [spmem:s1], $0x80, s20, s11, $0xb8;
	[tilespmem:$0x1B680] =	vst v63  }
0x3b: {  	_ =	swait.ge [sflag:s6], $0x6000  }
0x3c: {  	[sflag:s6] =	ssyncset.done $0x0  }
0x3d: {  	s21 =	rddreg [dreg:$0x17];
	[sflag:s6] =	ssyncadd.s32 $0xFFFFA000  }
0x3e: {  	[hbm4b:s21+s2] =	stream.linear.scatter [tilespmem:s15], [sflag:$0x5], $0x6000, $0x38;
	[tilespmem:$0x1B680] =	vst v63  }
.LBB2_19:
0x3f: {  	_ =	swait.ge [sflag:s16], $0x6800  }
0x40: {  	[sflag:s16] =	ssyncset.done $0x0  }
0x41: {  	[sflag:s16] =	ssyncadd.s32 $0xFFFF9800  }
0x42: {  	_ =	swait.ge [sflag:s16], $0x6000  }
0x43: {  	[sflag:s16] =	ssyncset.done $0x0  }
0x44: {  	s18 =	sadd.s32 $0x1, s18;
	[sflag:s16] =	ssyncadd.s32 $0xFFFFA000  }
0x45: {  	p2 =	sne.s32 s18, s5;
	_ =	swait.ge [sflag:s17], $0x6800  }
.Ltmp1:
0x46: {  	[sflag:s17] =	ssyncset.done $0x0;
	(pc) =	sbr.rel @!p2 .LBB2_20-.Ltmp1, $4  }
0x47: {  	[sflag:s17] =	ssyncadd.s32 $0xFFFF9800  }
0x48: {  	_ =	swait.ge [sflag:s17], $0x6000  }
0x49: {  	[sflag:s17] =	ssyncset.done $0x0  }
0x4a: {  	[sflag:s17] =	ssyncadd.s32 $0xFFFFA000  }
.LBB2_1:
0x4b: {  	s19 =	sshrl.u32 @!p0 s1, $0x3;
	s20 =	simm.s32 @!p0 $0x1C06  }
0x4c: {  	[spmem:s19], [sflag:s20] =	dma.local @!p0 [hbm:s28], $0x200  }
0x4d: {  	s19 =	simm.s32 @!p0 $0x6  }
0x4e: {  	_ =	swait.ge @!p0 [sflag:s19], $0x200  }
0x4f: {  	[sflag:s19] =	ssyncset.done @!p0 $0x0  }
0x50: {  	[sflag:s19] =	ssyncadd.s32 @!p0 $0xFFFFFE00  }
0x51: {  	[bflag:$0x0] =	sbarrier.arrive $0xFFFF  }
0x52: {  	s21 =	simm.s32 $0x100;
	s20 =	rddreg [dreg:$0xc]  }
0x53: {  	[tilespmem:s21], [sflag:$0x3] =	stream.linear.gather [hbm4b:s20+s2], $0x190, $0x38;
	[tilespmem:$0x1B680] =	vst v63  }
0x54: {  	s20 =	rddreg [dreg:$0xd];
	s21 =	simm.s32 $0xD80  }
0x55: {  	[tilespmem:s21], [sflag:$0x3] =	stream.linear.gather [hbm4b:s20+s2], $0x190, $0x38;
	[tilespmem:$0x1B680] =	vst v63  }
0x56: {  	s20 =	rddreg [dreg:$0xe];
	s21 =	simm.s32 $0x290  }
0x57: {  	[tilespmem:s21], [sflag:$0x1] =	stream.linear.gather [hbm4b:s20+s2], $0x190, $0x38;
	[tilespmem:$0x1B680] =	vst v63  }
0x58: {  	s20 =	rddreg [dreg:$0xf];
	s21 =	simm.s32 $0xF10  }
0x59: {  	[tilespmem:s21], [sflag:$0x1] =	stream.linear.gather [hbm4b:s20+s2], $0x190, $0x38;
	[tilespmem:$0x1B680] =	vst v63  }
0x5a: {  	s20 =	rddreg [dreg:$0x10];
	s21 =	simm.s32 $0x420  }
0x5b: {  	[tilespmem:s21], [sflag:$0x1] =	stream.linear.gather [hbm4b:s20+s2], $0x190, $0x38;
	[tilespmem:$0x1B680] =	vst v63  }
0x5c: {  	s20 =	rddreg [dreg:$0x11];
	s21 =	simm.s32 $0x10A0  }
0x5d: {  	[tilespmem:s21], [sflag:$0x1] =	stream.linear.gather [hbm4b:s20+s2], $0x190, $0x38;
	[tilespmem:$0x1B680] =	vst v63  }
0x5e: {  	s20 =	rddreg [dreg:$0x12];
	s21 =	simm.s32 $0x5B0  }
0x5f: {  	[tilespmem:s21], [sflag:$0x1] =	stream.linear.gather [hbm4b:s20+s2], $0x190, $0x38;
	[tilespmem:$0x1B680] =	vst v63  }
0x60: {  	s20 =	rddreg [dreg:$0x13];
	s21 =	simm.s32 $0x1230  }
0x61: {  	[tilespmem:s21], [sflag:$0x1] =	stream.linear.gather [hbm4b:s20+s2], $0x190, $0x38;
	[tilespmem:$0x1B680] =	vst v63  }
0x62: {  	s20 =	rddreg [dreg:$0x14];
	s21 =	simm.s32 $0x740  }
0x63: {  	[tilespmem:s21], [sflag:$0x1] =	stream.linear.gather [hbm4b:s20+s2], $0x190, $0x38;
	[tilespmem:$0x1B680] =	vst v63  }
0x64: {  	s20 =	rddreg [dreg:$0x15];
	s21 =	simm.s32 $0x13C0  }
0x65: {  	[tilespmem:s21], [sflag:$0x1] =	stream.linear.gather [hbm4b:s20+s2], $0x190, $0x38;
	[tilespmem:$0x1B680] =	vst v63  }
0x66: {  	s20 =	rddreg [dreg:$0x16];
	s21 =	simm.s32 $0x8D0  }
0x67: {  	[tilespmem:s21], [sflag:$0x1] =	stream.linear.gather [hbm4b:s20+s2], $0x190, $0x38;
	[tilespmem:$0x1B680] =	vst v63  }
0x68: {  	s21 =	simm.s32 $0x1550  }
0x69: {  	[tilespmem:s21], [sflag:$0x1] =	stream.linear.gather [hbm4b:s22+s2], $0x190, $0x38;
	[tilespmem:$0x1B680] =	vst v63  }
0x6a: {  	s20 =	simm.s32 $0xA60  }
0x6b: {  	[tilespmem:s20], [sflag:$0x1] =	stream.linear.gather [hbm4b:s23+s2], $0x190, $0x38;
	[tilespmem:$0x1B680] =	vst v63  }
0x6c: {  	s21 =	simm.s32 $0x16E0  }
0x6d: {  	[tilespmem:s21], [sflag:$0x1] =	stream.linear.gather [hbm4b:s24+s2], $0x190, $0x38;
	[tilespmem:$0x1B680] =	vst v63  }
0x6e: {  	s19 =	simm.s32 @!p1 $0x0;
	s20 =	simm.s32 @!p1 $0xBF0  }
0x6f: {  	[tilespmem:s20], [sflag:$0x1] =	stream.linear.gather @!p1 [hbm4b:s25+s19], $0x190, $0x38;
	[tilespmem:$0x1B680] =	vst v63  }
0x70: {  	s20 =	simm.s32 @!p1 $0x1870  }
0x71: {  	[tilespmem:s20], [sflag:$0x1] =	stream.linear.gather @!p1 [hbm4b:s26+s19], $0x190, $0x38;
	[tilespmem:$0x1B680] =	vst v63  }
0x72: {  	_ =	swait.ge [sflag:s6], $0x190  }
0x73: {  	[sflag:s6] =	ssyncset.done $0x0  }
0x74: {  	[sflag:s6] =	ssyncadd.s32 $0xFFFFFE70  }
0x75: {  	_ =	swait.ge [sflag:s6], $0x190  }
0x76: {  	[sflag:s6] =	ssyncset.done $0x0  }
0x77: {  	s19 =	simm.s32 $0x0;
	[sflag:s6] =	ssyncadd.s32 $0xFFFFFE70  }
0x78: {  	v1 =	vld [tilespmem:s19+$0x100]  }
0x79: {  	v0 =	vld [tilespmem:s19+$0xD80];
	_ =	sdelay $0x2  }
0x7a: {  	s20 =	simm.s32 $0x40  }
.LBB2_2:
0x7b: {  	s21 =	sshra.s32 s20, $0x2;
	p2 =	sne.s32 s20, $0x600;
	s20 =	sadd.s32 $0x40, s20;
	vm0 =	vgt.s32 v1, $0x0  }
.Ltmp2:
0x7c: {  	v2 =	vnsel vm0, $0x0, v1;
	v1 =	vld [tilespmem:s21+$0x100];
	vm0 =	vgt.s32 v0, $0x0;
	(pc) =	sbr.rel @p2 .LBB2_2-.Ltmp2, $4  }
0x7d: {  	v2 =	vmin.u32 v2, $0x3;
	v3 =	vnsel vm0, $0x0, v0;
	v0 =	vld [tilespmem:s21+$0xD80]  }
0x7e: {  	v3 =	vmin.u32 v3, $0x7;
	v2 =	vshll.u32 v2, $0x3  }
0x7f: {  	v2 =	vor.u32 v3, v2  }
0x80: {  	[tilespmem:s19+$0x1A00] =	vst v2;
	s19 =	smov.u32 s21  }
0x81: {  	vm0 =	vgt.s32 v1, $0x0  }
0x82: {  	v1 =	vnsel vm0, $0x0, v1;
	vm15 =	vgt.s32 v0, $0x0  }
0x83: {  	v1 =	vmin.u32 v1, $0x3;
	v0 =	vnsel vm15, $0x0, v0  }
0x84: {  	v0 =	vmin.u32 v0, $0x7;
	v1 =	vshll.u32 v1, $0x3  }
0x85: {  	v0 =	vor.u32 v0, v1  }
0x86: {  	s21 =	simm.s32 $0x1A00;
	[tilespmem:s19+$0x1A00] =	vst v0  }
0x87: {  	[tilespmem:s8], [sflag:$0x2] =	stream.indirect.gather [spmem:s1], $0x80, s21, s7, $0xb8;
	[tilespmem:$0x1B680] =	vst v63  }
0x88: {  	_ =	swait.ge [sflag:s9], $0x6800  }
0x89: {  	[sflag:s9] =	ssyncset.done $0x0  }
0x8a: {  	s20 =	rddreg [dreg:$0x4];
	[sflag:s9] =	ssyncadd.s32 $0xFFFF9800  }
0x8b: {  	[hbm4b:s20+s2] =	stream.linear.scatter [tilespmem:s8], [sflag:$0x4], $0x6800, $0x38;
	[tilespmem:$0x1B680] =	vst v63  }
0x8c: {  	s21 =	simm.s32 $0x1AD0  }
0x8d: {  	[tilespmem:s12], [sflag:$0x3] =	stream.indirect.gather [spmem:s1], $0x80, s21, s11, $0xb8;
	[tilespmem:$0x1B680] =	vst v63  }
0x8e: {  	_ =	swait.ge [sflag:s6], $0x6000  }
0x8f: {  	[sflag:s6] =	ssyncset.done $0x0  }
0x90: {  	[sflag:s6] =	ssyncadd.s32 $0xFFFFA000  }
0x91: {  	[hbm4b:s29+s2] =	stream.linear.scatter [tilespmem:s12], [sflag:$0x4], $0x6000, $0x38;
	[tilespmem:$0x1B680] =	vst v63  }
0x92: {  	_ =	swait.ge [sflag:s13], $0x190  }
0x93: {  	[sflag:s13] =	ssyncset.done $0x0  }
0x94: {  	[sflag:s13] =	ssyncadd.s32 $0xFFFFFE70  }
0x95: {  	_ =	swait.ge [sflag:s13], $0x190  }
0x96: {  	[sflag:s13] =	ssyncset.done $0x0  }
0x97: {  	[sflag:s13] =	ssyncadd.s32 $0xFFFFFE70  }
0x98: {  	_ =	swait.ge [sflag:s13], $0x190  }
0x99: {  	[sflag:s13] =	ssyncset.done $0x0  }
0x9a: {  	[sflag:s13] =	ssyncadd.s32 $0xFFFFFE70  }
0x9b: {  	_ =	swait.ge [sflag:s13], $0x190  }
0x9c: {  	[sflag:s13] =	ssyncset.done $0x0  }
0x9d: {  	[sflag:s13] =	ssyncadd.s32 $0xFFFFFE70  }
0x9e: {  	_ =	swait.ge [sflag:s13], $0x190  }
0x9f: {  	[sflag:s13] =	ssyncset.done $0x0  }
0xa0: {  	[sflag:s13] =	ssyncadd.s32 $0xFFFFFE70  }
0xa1: {  	_ =	swait.ge [sflag:s13], $0x190  }
0xa2: {  	[sflag:s13] =	ssyncset.done $0x0  }
0xa3: {  	[sflag:s13] =	ssyncadd.s32 $0xFFFFFE70  }
0xa4: {  	_ =	swait.ge [sflag:s13], $0x190  }
0xa5: {  	[sflag:s13] =	ssyncset.done $0x0  }
0xa6: {  	[sflag:s13] =	ssyncadd.s32 $0xFFFFFE70  }
0xa7: {  	_ =	swait.ge [sflag:s13], $0x190  }
0xa8: {  	[sflag:s13] =	ssyncset.done $0x0  }
0xa9: {  	[sflag:s13] =	ssyncadd.s32 $0xFFFFFE70  }
0xaa: {  	_ =	swait.ge [sflag:s13], $0x190  }
0xab: {  	[sflag:s13] =	ssyncset.done $0x0  }
0xac: {  	[sflag:s13] =	ssyncadd.s32 $0xFFFFFE70  }
0xad: {  	_ =	swait.ge [sflag:s13], $0x190  }
0xae: {  	[sflag:s13] =	ssyncset.done $0x0  }
0xaf: {  	[sflag:s13] =	ssyncadd.s32 $0xFFFFFE70  }
0xb0: {  	_ =	swait.ge [sflag:s13], $0x190  }
0xb1: {  	[sflag:s13] =	ssyncset.done $0x0  }
0xb2: {  	[sflag:s13] =	ssyncadd.s32 $0xFFFFFE70  }
0xb3: {  	_ =	swait.ge [sflag:s13], $0x190  }
0xb4: {  	[sflag:s13] =	ssyncset.done $0x0  }
0xb5: {  	s19 =	simm.s32 @!p1 $0x1;
	[sflag:s13] =	ssyncadd.s32 $0xFFFFFE70  }
0xb6: {  	_ =	swait.ge @!p1 [sflag:s19], $0x190  }
0xb7: {  	[sflag:s19] =	ssyncset.done @!p1 $0x0  }
0xb8: {  	[sflag:s19] =	ssyncadd.s32 @!p1 $0xFFFFFE70  }
0xb9: {  	_ =	swait.ge @!p1 [sflag:s19], $0x190  }
0xba: {  	[sflag:s19] =	ssyncset.done @!p1 $0x0  }
0xbb: {  	[sflag:s19] =	ssyncadd.s32 @!p1 $0xFFFFFE70;
	s19 =	simm.s32 $0x0  }
0xbc: {  	v1 =	vld [tilespmem:s19+$0x290]  }
0xbd: {  	v0 =	vld [tilespmem:s19+$0xF10];
	_ =	sdelay $0x2  }
0xbe: {  	s20 =	simm.s32 $0x40  }
.LBB2_4:
0xbf: {  	s21 =	sshra.s32 s20, $0x2;
	p2 =	sne.s32 s20, $0x600;
	s20 =	sadd.s32 $0x40, s20;
	vm0 =	vgt.s32 v1, $0x0  }
.Ltmp3:
0xc0: {  	v2 =	vnsel vm0, $0x0, v1;
	v1 =	vld [tilespmem:s21+$0x290];
	vm0 =	vgt.s32 v0, $0x0;
	(pc) =	sbr.rel @p2 .LBB2_4-.Ltmp3, $4  }
0xc1: {  	v2 =	vmin.u32 v2, $0x3;
	v3 =	vnsel vm0, $0x0, v0;
	v0 =	vld [tilespmem:s21+$0xF10]  }
0xc2: {  	v3 =	vmin.u32 v3, $0x7;
	v2 =	vshll.u32 v2, $0x3  }
0xc3: {  	v2 =	vor.u32 v3, v2  }
0xc4: {  	[tilespmem:s19+$0x1B90] =	vst v2;
	s19 =	smov.u32 s21  }
0xc5: {  	vm0 =	vgt.s32 v1, $0x0  }
0xc6: {  	v1 =	vnsel vm0, $0x0, v1;
	vm15 =	vgt.s32 v0, $0x0  }
0xc7: {  	v1 =	vmin.u32 v1, $0x3;
	v0 =	vnsel vm15, $0x0, v0  }
0xc8: {  	v0 =	vmin.u32 v0, $0x7;
	v1 =	vshll.u32 v1, $0x3  }
0xc9: {  	v0 =	vor.u32 v0, v1  }
0xca: {  	s20 =	simm.s32 $0x1B90;
	[tilespmem:s19+$0x1B90] =	vst v0  }
0xcb: {  	[tilespmem:s14], [sflag:$0x2] =	stream.indirect.gather [spmem:s1], $0x80, s20, s7, $0xb8;
	[tilespmem:$0x1B680] =	vst v63  }
0xcc: {  	_ =	swait.ge [sflag:s9], $0x6800  }
0xcd: {  	[sflag:s9] =	ssyncset.done $0x0  }
0xce: {  	s19 =	simm.s32 $0x0;
	s20 =	rddreg [dreg:$0x5];
	[sflag:s9] =	ssyncadd.s32 $0xFFFF9800  }
0xcf: {  	[hbm4b:s20+s19] =	stream.linear.scatter [tilespmem:s14], [sflag:$0x5], $0x6800, $0x38;
	[tilespmem:$0x1B680] =	vst v63  }
0xd0: {  	s21 =	simm.s32 $0x1C60  }
0xd1: {  	[tilespmem:s15], [sflag:$0x3] =	stream.indirect.gather [spmem:s1], $0x80, s21, s11, $0xb8;
	[tilespmem:$0x1B680] =	vst v63  }
0xd2: {  	_ =	swait.ge [sflag:s6], $0x6000  }
0xd3: {  	[sflag:s6] =	ssyncset.done $0x0  }
0xd4: {  	[sflag:s6] =	ssyncadd.s32 $0xFFFFA000  }
0xd5: {  	[hbm4b:s30+s19] =	stream.linear.scatter [tilespmem:s15], [sflag:$0x5], $0x6000, $0x38;
	[tilespmem:$0x1B680] =	vst v63  }
0xd6: {  	s19 =	simm.s32 $0x0  }
0xd7: {  	v1 =	vld [tilespmem:s19+$0x420]  }
0xd8: {  	v0 =	vld [tilespmem:s19+$0x10A0];
	_ =	sdelay $0x2  }
0xd9: {  	s20 =	simm.s32 $0x40  }
.LBB2_6:
0xda: {  	s21 =	sshra.s32 s20, $0x2;
	p2 =	sne.s32 s20, $0x600;
	s20 =	sadd.s32 $0x40, s20;
	vm0 =	vgt.s32 v1, $0x0  }
.Ltmp4:
0xdb: {  	v2 =	vnsel vm0, $0x0, v1;
	v1 =	vld [tilespmem:s21+$0x420];
	vm0 =	vgt.s32 v0, $0x0;
	(pc) =	sbr.rel @p2 .LBB2_6-.Ltmp4, $4  }
0xdc: {  	v2 =	vmin.u32 v2, $0x3;
	v3 =	vnsel vm0, $0x0, v0;
	v0 =	vld [tilespmem:s21+$0x10A0]  }
0xdd: {  	v3 =	vmin.u32 v3, $0x7;
	v2 =	vshll.u32 v2, $0x3  }
0xde: {  	v2 =	vor.u32 v3, v2  }
0xdf: {  	[tilespmem:s19+$0x1D20] =	vst v2;
	s19 =	smov.u32 s21  }
0xe0: {  	vm0 =	vgt.s32 v1, $0x0  }
0xe1: {  	v1 =	vnsel vm0, $0x0, v1;
	vm15 =	vgt.s32 v0, $0x0  }
0xe2: {  	v1 =	vmin.u32 v1, $0x3;
	v0 =	vnsel vm15, $0x0, v0  }
0xe3: {  	v0 =	vmin.u32 v0, $0x7;
	v1 =	vshll.u32 v1, $0x3  }
0xe4: {  	v0 =	vor.u32 v0, v1  }
0xe5: {  	[tilespmem:s19+$0x1D20] =	vst v0  }
0xe6: {  	_ =	swait.ge [sflag:s16], $0x6800  }
0xe7: {  	[sflag:s16] =	ssyncset.done $0x0  }
0xe8: {  	[sflag:s16] =	ssyncadd.s32 $0xFFFF9800  }
0xe9: {  	_ =	swait.ge [sflag:s16], $0x6000  }
0xea: {  	[sflag:s16] =	ssyncset.done $0x0  }
0xeb: {  	s20 =	simm.s32 $0x1D20;
	[sflag:s16] =	ssyncadd.s32 $0xFFFFA000  }
0xec: {  	[tilespmem:s8], [sflag:$0x2] =	stream.indirect.gather [spmem:s1], $0x80, s20, s7, $0xb8;
	[tilespmem:$0x1B680] =	vst v63  }
0xed: {  	_ =	swait.ge [sflag:s9], $0x6800  }
0xee: {  	[sflag:s9] =	ssyncset.done $0x0  }
0xef: {  	s19 =	simm.s32 $0x0;
	s20 =	rddreg [dreg:$0x6];
	[sflag:s9] =	ssyncadd.s32 $0xFFFF9800  }
0xf0: {  	[hbm4b:s20+s19] =	stream.linear.scatter [tilespmem:s8], [sflag:$0x4], $0x6800, $0x38;
	[tilespmem:$0x1B680] =	vst v63  }
0xf1: {  	s21 =	simm.s32 $0x1DF0  }
0xf2: {  	[tilespmem:s12], [sflag:$0x3] =	stream.indirect.gather [spmem:s1], $0x80, s21, s11, $0xb8;
	[tilespmem:$0x1B680] =	vst v63  }
0xf3: {  	_ =	swait.ge [sflag:s6], $0x6000  }
0xf4: {  	[sflag:s6] =	ssyncset.done $0x0  }
0xf5: {  	[sflag:s6] =	ssyncadd.s32 $0xFFFFA000  }
0xf6: {  	[hbm4b:s31+s19] =	stream.linear.scatter [tilespmem:s12], [sflag:$0x4], $0x6000, $0x38;
	[tilespmem:$0x1B680] =	vst v63  }
0xf7: {  	s19 =	simm.s32 $0x0  }
0xf8: {  	v1 =	vld [tilespmem:s19+$0x5B0]  }
0xf9: {  	v0 =	vld [tilespmem:s19+$0x1230];
	_ =	sdelay $0x2  }
0xfa: {  	s20 =	simm.s32 $0x40  }
.LBB2_8:
0xfb: {  	s21 =	sshra.s32 s20, $0x2;
	p2 =	sne.s32 s20, $0x600;
	s20 =	sadd.s32 $0x40, s20;
	vm0 =	vgt.s32 v1, $0x0  }
.Ltmp5:
0xfc: {  	v2 =	vnsel vm0, $0x0, v1;
	v1 =	vld [tilespmem:s21+$0x5B0];
	vm0 =	vgt.s32 v0, $0x0;
	(pc) =	sbr.rel @p2 .LBB2_8-.Ltmp5, $4  }
0xfd: {  	v2 =	vmin.u32 v2, $0x3;
	v3 =	vnsel vm0, $0x0, v0;
	v0 =	vld [tilespmem:s21+$0x1230]  }
0xfe: {  	v3 =	vmin.u32 v3, $0x7;
	v2 =	vshll.u32 v2, $0x3  }
0xff: {  	v2 =	vor.u32 v3, v2  }
0x100: {  	[tilespmem:s19+$0x1EB0] =	vst v2;
	s19 =	smov.u32 s21  }
0x101: {  	vm0 =	vgt.s32 v1, $0x0  }
0x102: {  	v1 =	vnsel vm0, $0x0, v1;
	vm15 =	vgt.s32 v0, $0x0  }
0x103: {  	v1 =	vmin.u32 v1, $0x3;
	v0 =	vnsel vm15, $0x0, v0  }
0x104: {  	v0 =	vmin.u32 v0, $0x7;
	v1 =	vshll.u32 v1, $0x3  }
0x105: {  	v0 =	vor.u32 v0, v1  }
0x106: {  	[tilespmem:s19+$0x1EB0] =	vst v0  }
0x107: {  	_ =	swait.ge [sflag:s17], $0x6800  }
0x108: {  	[sflag:s17] =	ssyncset.done $0x0  }
0x109: {  	[sflag:s17] =	ssyncadd.s32 $0xFFFF9800  }
0x10a: {  	_ =	swait.ge [sflag:s17], $0x6000  }
0x10b: {  	[sflag:s17] =	ssyncset.done $0x0  }
0x10c: {  	s20 =	simm.s32 $0x1EB0;
	[sflag:s17] =	ssyncadd.s32 $0xFFFFA000  }
0x10d: {  	[tilespmem:s14], [sflag:$0x2] =	stream.indirect.gather [spmem:s1], $0x80, s20, s7, $0xb8;
	[tilespmem:$0x1B680] =	vst v63  }
0x10e: {  	_ =	swait.ge [sflag:s9], $0x6800  }
0x10f: {  	[sflag:s9] =	ssyncset.done $0x0  }
0x110: {  	s19 =	simm.s32 $0x0;
	s20 =	rddreg [dreg:$0x7];
	[sflag:s9] =	ssyncadd.s32 $0xFFFF9800  }
0x111: {  	[hbm4b:s20+s19] =	stream.linear.scatter [tilespmem:s14], [sflag:$0x5], $0x6800, $0x38;
	[tilespmem:$0x1B680] =	vst v63  }
0x112: {  	s21 =	simm.s32 $0x1F80  }
0x113: {  	[tilespmem:s15], [sflag:$0x3] =	stream.indirect.gather [spmem:s1], $0x80, s21, s11, $0xb8;
	[tilespmem:$0x1B680] =	vst v63  }
0x114: {  	_ =	swait.ge [sflag:s6], $0x6000  }
0x115: {  	[sflag:s6] =	ssyncset.done $0x0  }
0x116: {  	[sflag:s6] =	ssyncadd.s32 $0xFFFFA000  }
0x117: {  	[hbm4b:s0+s19] =	stream.linear.scatter [tilespmem:s15], [sflag:$0x5], $0x6000, $0x38;
	[tilespmem:$0x1B680] =	vst v63  }
0x118: {  	s19 =	simm.s32 $0x0  }
0x119: {  	v1 =	vld [tilespmem:s19+$0x740]  }
0x11a: {  	v0 =	vld [tilespmem:s19+$0x13C0];
	_ =	sdelay $0x2  }
0x11b: {  	s20 =	simm.s32 $0x40  }
.LBB2_10:
0x11c: {  	s21 =	sshra.s32 s20, $0x2;
	p2 =	sne.s32 s20, $0x600;
	s20 =	sadd.s32 $0x40, s20;
	vm0 =	vgt.s32 v1, $0x0  }
.Ltmp6:
0x11d: {  	v2 =	vnsel vm0, $0x0, v1;
	v1 =	vld [tilespmem:s21+$0x740];
	vm0 =	vgt.s32 v0, $0x0;
	(pc) =	sbr.rel @p2 .LBB2_10-.Ltmp6, $4  }
0x11e: {  	v2 =	vmin.u32 v2, $0x3;
	v3 =	vnsel vm0, $0x0, v0;
	v0 =	vld [tilespmem:s21+$0x13C0]  }
0x11f: {  	v3 =	vmin.u32 v3, $0x7;
	v2 =	vshll.u32 v2, $0x3  }
0x120: {  	v2 =	vor.u32 v3, v2  }
0x121: {  	[tilespmem:s19+$0x2040] =	vst v2;
	s19 =	smov.u32 s21  }
0x122: {  	vm0 =	vgt.s32 v1, $0x0  }
0x123: {  	v1 =	vnsel vm0, $0x0, v1;
	vm15 =	vgt.s32 v0, $0x0  }
0x124: {  	v1 =	vmin.u32 v1, $0x3;
	v0 =	vnsel vm15, $0x0, v0  }
0x125: {  	v0 =	vmin.u32 v0, $0x7;
	v1 =	vshll.u32 v1, $0x3  }
0x126: {  	v0 =	vor.u32 v0, v1  }
0x127: {  	[tilespmem:s19+$0x2040] =	vst v0  }
0x128: {  	_ =	swait.ge [sflag:s16], $0x6800  }
0x129: {  	[sflag:s16] =	ssyncset.done $0x0  }
0x12a: {  	[sflag:s16] =	ssyncadd.s32 $0xFFFF9800  }
0x12b: {  	_ =	swait.ge [sflag:s16], $0x6000  }
0x12c: {  	[sflag:s16] =	ssyncset.done $0x0  }
0x12d: {  	s20 =	simm.s32 $0x2040;
	[sflag:s16] =	ssyncadd.s32 $0xFFFFA000  }
0x12e: {  	[tilespmem:s8], [sflag:$0x2] =	stream.indirect.gather [spmem:s1], $0x80, s20, s7, $0xb8;
	[tilespmem:$0x1B680] =	vst v63  }
0x12f: {  	_ =	swait.ge [sflag:s9], $0x6800  }
0x130: {  	[sflag:s9] =	ssyncset.done $0x0  }
0x131: {  	s19 =	simm.s32 $0x0;
	s20 =	rddreg [dreg:$0x8];
	[sflag:s9] =	ssyncadd.s32 $0xFFFF9800  }
0x132: {  	[hbm4b:s20+s19] =	stream.linear.scatter [tilespmem:s8], [sflag:$0x4], $0x6800, $0x38;
	[tilespmem:$0x1B680] =	vst v63  }
0x133: {  	s21 =	simm.s32 $0x2110  }
0x134: {  	[tilespmem:s12], [sflag:$0x3] =	stream.indirect.gather [spmem:s1], $0x80, s21, s11, $0xb8;
	[tilespmem:$0x1B680] =	vst v63  }
0x135: {  	_ =	swait.ge [sflag:s6], $0x6000  }
0x136: {  	[sflag:s6] =	ssyncset.done $0x0  }
0x137: {  	[sflag:s6] =	ssyncadd.s32 $0xFFFFA000  }
0x138: {  	[hbm4b:s10+s19] =	stream.linear.scatter [tilespmem:s12], [sflag:$0x4], $0x6000, $0x38;
	[tilespmem:$0x1B680] =	vst v63  }
0x139: {  	s19 =	simm.s32 $0x0  }
0x13a: {  	v1 =	vld [tilespmem:s19+$0x8D0]  }
0x13b: {  	v0 =	vld [tilespmem:s19+$0x1550];
	_ =	sdelay $0x2  }
0x13c: {  	s20 =	simm.s32 $0x40  }
.LBB2_12:
0x13d: {  	s21 =	sshra.s32 s20, $0x2;
	p2 =	sne.s32 s20, $0x600;
	s20 =	sadd.s32 $0x40, s20;
	vm0 =	vgt.s32 v1, $0x0  }
.Ltmp7:
0x13e: {  	v2 =	vnsel vm0, $0x0, v1;
	v1 =	vld [tilespmem:s21+$0x8D0];
	vm0 =	vgt.s32 v0, $0x0;
	(pc) =	sbr.rel @p2 .LBB2_12-.Ltmp7, $4  }
0x13f: {  	v2 =	vmin.u32 v2, $0x3;
	v3 =	vnsel vm0, $0x0, v0;
	v0 =	vld [tilespmem:s21+$0x1550]  }
0x140: {  	v3 =	vmin.u32 v3, $0x7;
	v2 =	vshll.u32 v2, $0x3  }
0x141: {  	v2 =	vor.u32 v3, v2  }
0x142: {  	[tilespmem:s19+$0x21D0] =	vst v2;
	s19 =	smov.u32 s21  }
0x143: {  	vm0 =	vgt.s32 v1, $0x0  }
0x144: {  	v1 =	vnsel vm0, $0x0, v1;
	vm15 =	vgt.s32 v0, $0x0  }
0x145: {  	v1 =	vmin.u32 v1, $0x3;
	v0 =	vnsel vm15, $0x0, v0  }
0x146: {  	v0 =	vmin.u32 v0, $0x7;
	v1 =	vshll.u32 v1, $0x3  }
0x147: {  	v0 =	vor.u32 v0, v1  }
0x148: {  	[tilespmem:s19+$0x21D0] =	vst v0  }
0x149: {  	_ =	swait.ge [sflag:s17], $0x6800  }
0x14a: {  	[sflag:s17] =	ssyncset.done $0x0  }
0x14b: {  	[sflag:s17] =	ssyncadd.s32 $0xFFFF9800  }
0x14c: {  	_ =	swait.ge [sflag:s17], $0x6000  }
0x14d: {  	[sflag:s17] =	ssyncset.done $0x0  }
0x14e: {  	s20 =	simm.s32 $0x21D0;
	[sflag:s17] =	ssyncadd.s32 $0xFFFFA000  }
0x14f: {  	[tilespmem:s14], [sflag:$0x2] =	stream.indirect.gather [spmem:s1], $0x80, s20, s7, $0xb8;
	[tilespmem:$0x1B680] =	vst v63  }
0x150: {  	_ =	swait.ge [sflag:s9], $0x6800  }
0x151: {  	[sflag:s9] =	ssyncset.done $0x0  }
0x152: {  	s19 =	simm.s32 $0x0;
	s20 =	rddreg [dreg:$0x9];
	[sflag:s9] =	ssyncadd.s32 $0xFFFF9800  }
0x153: {  	[hbm4b:s20+s19] =	stream.linear.scatter [tilespmem:s14], [sflag:$0x5], $0x6800, $0x38;
	[tilespmem:$0x1B680] =	vst v63  }
0x154: {  	s21 =	simm.s32 $0x22A0  }
0x155: {  	[tilespmem:s15], [sflag:$0x3] =	stream.indirect.gather [spmem:s1], $0x80, s21, s11, $0xb8;
	[tilespmem:$0x1B680] =	vst v63  }
0x156: {  	_ =	swait.ge [sflag:s6], $0x6000  }
0x157: {  	[sflag:s6] =	ssyncset.done $0x0  }
0x158: {  	[sflag:s6] =	ssyncadd.s32 $0xFFFFA000  }
0x159: {  	[hbm4b:s3+s19] =	stream.linear.scatter [tilespmem:s15], [sflag:$0x5], $0x6000, $0x38;
	[tilespmem:$0x1B680] =	vst v63  }
0x15a: {  	s19 =	simm.s32 $0x0  }
0x15b: {  	v1 =	vld [tilespmem:s19+$0xA60]  }
0x15c: {  	v0 =	vld [tilespmem:s19+$0x16E0];
	_ =	sdelay $0x2  }
0x15d: {  	s20 =	simm.s32 $0x40  }
.LBB2_14:
0x15e: {  	s21 =	sshra.s32 s20, $0x2;
	p2 =	sne.s32 s20, $0x600;
	s20 =	sadd.s32 $0x40, s20;
	vm0 =	vgt.s32 v1, $0x0  }
.Ltmp8:
0x15f: {  	v2 =	vnsel vm0, $0x0, v1;
	v1 =	vld [tilespmem:s21+$0xA60];
	vm0 =	vgt.s32 v0, $0x0;
	(pc) =	sbr.rel @p2 .LBB2_14-.Ltmp8, $4  }
0x160: {  	v2 =	vmin.u32 v2, $0x3;
	v3 =	vnsel vm0, $0x0, v0;
	v0 =	vld [tilespmem:s21+$0x16E0]  }
0x161: {  	v3 =	vmin.u32 v3, $0x7;
	v2 =	vshll.u32 v2, $0x3  }
0x162: {  	v2 =	vor.u32 v3, v2  }
0x163: {  	[tilespmem:s19+$0x2360] =	vst v2;
	s19 =	smov.u32 s21  }
0x164: {  	vm0 =	vgt.s32 v1, $0x0  }
0x165: {  	v1 =	vnsel vm0, $0x0, v1;
	vm15 =	vgt.s32 v0, $0x0  }
0x166: {  	v1 =	vmin.u32 v1, $0x3;
	v0 =	vnsel vm15, $0x0, v0  }
0x167: {  	v0 =	vmin.u32 v0, $0x7;
	v1 =	vshll.u32 v1, $0x3  }
0x168: {  	v0 =	vor.u32 v0, v1  }
0x169: {  	[tilespmem:s19+$0x2360] =	vst v0  }
0x16a: {  	_ =	swait.ge [sflag:s16], $0x6800  }
0x16b: {  	[sflag:s16] =	ssyncset.done $0x0  }
0x16c: {  	[sflag:s16] =	ssyncadd.s32 $0xFFFF9800  }
0x16d: {  	_ =	swait.ge [sflag:s16], $0x6000  }
0x16e: {  	[sflag:s16] =	ssyncset.done $0x0  }
0x16f: {  	s20 =	simm.s32 $0x2360;
	[sflag:s16] =	ssyncadd.s32 $0xFFFFA000  }
0x170: {  	[tilespmem:s8], [sflag:$0x2] =	stream.indirect.gather [spmem:s1], $0x80, s20, s7, $0xb8;
	[tilespmem:$0x1B680] =	vst v63  }
0x171: {  	_ =	swait.ge [sflag:s9], $0x6800  }
0x172: {  	[sflag:s9] =	ssyncset.done $0x0  }
0x173: {  	s19 =	simm.s32 $0x0;
	s20 =	rddreg [dreg:$0xa];
	[sflag:s9] =	ssyncadd.s32 $0xFFFF9800  }
0x174: {  	[hbm4b:s20+s19] =	stream.linear.scatter [tilespmem:s8], [sflag:$0x4], $0x6800, $0x38;
	[tilespmem:$0x1B680] =	vst v63  }
0x175: {  	s21 =	simm.s32 $0x2430  }
0x176: {  	[tilespmem:s12], [sflag:$0x3] =	stream.indirect.gather [spmem:s1], $0x80, s21, s11, $0xb8;
	[tilespmem:$0x1B680] =	vst v63  }
.Ltmp9:
0x177: {  	_ = 	snop;
	(pc) =	sbr.rel @p1 .LBB2_19-.Ltmp9, $4  }
0x178: {  	_ =	swait.ge [sflag:s6], $0x6000  }
0x179: {  	[sflag:s6] =	ssyncset.done $0x0  }
0x17a: {  	[sflag:s6] =	ssyncadd.s32 $0xFFFFA000  }
0x17b: {  	[hbm4b:s4+s19] =	stream.linear.scatter [tilespmem:s12], [sflag:$0x4], $0x6000, $0x38;
	[tilespmem:$0x1B680] =	vst v63  }
0x17c: {  	s19 =	simm.s32 $0x0  }
0x17d: {  	v1 =	vld [tilespmem:s19+$0xBF0]  }
0x17e: {  	v0 =	vld [tilespmem:s19+$0x1870];
	_ =	sdelay $0x2  }
0x17f: {  	s20 =	simm.s32 $0x40  }
.LBB2_17:
0x180: {  	s21 =	sshra.s32 s20, $0x2;
	p2 =	sne.s32 s20, $0x600;
	s20 =	sadd.s32 $0x40, s20;
	vm0 =	vgt.s32 v1, $0x0  }
.Ltmp10:
0x181: {  	v2 =	vnsel vm0, $0x0, v1;
	v1 =	vld [tilespmem:s21+$0xBF0];
	vm0 =	vgt.s32 v0, $0x0;
	(pc) =	sbr.rel @p2 .LBB2_17-.Ltmp10, $4  }
0x182: {  	v2 =	vmin.u32 v2, $0x3;
	v3 =	vnsel vm0, $0x0, v0;
	v0 =	vld [tilespmem:s21+$0x1870]  }
0x183: {  	v3 =	vmin.u32 v3, $0x7;
	v2 =	vshll.u32 v2, $0x3  }
0x184: {  	v2 =	vor.u32 v3, v2  }
0x185: {  	[tilespmem:s19+$0x24F0] =	vst v2;
	s19 =	smov.u32 s21  }
.Ltmp11:
0x186: {  	_ = 	snop;
	(pc) =	sbr.rel .LBB2_18-.Ltmp11, $1  }
0x187: {  	_ =	sdelay $0x3  }
.LBB2_20:
0x188: {  	_ =	sfence.sel $0x180000  }
0x189: {  	[bflag:$0x0] =	sbarrier.arrive $0xFFFF  }
0x18a: {  	_ =	strace $0x90000047  }
0x18b: {  	[bflag:$0x2] =	sbarrier.arrive $0xFFFF  }
0x18c: {  	s0 =	rddreg [dreg:$0x3]  }
0x18d: {  	s0 =	sadd.s32 @!p0 $0x100000, s0  }
0x18e: {  	[sflag:s0] =	ssyncadd.tile.s32 @!p0 $0x1;
	_ =	shalt  }
.Lfunc_end2:
_tile_overlayer_lowered:
.L_overlay_start_2:
0x18f: {  	(tag) =	ssettag $0x2  }
0x190: {  	s0 =	rddreg [dreg:$0x0];
	s2 =	stileid.u32  }
0x191: {  	s1 =	rddreg [dreg:$0x1];
	p0 =	sne.s32 s2, $0x0  }
0x192: {  	s3 =	rddreg [dreg:$0x2];
	[bflag:$0x3] =	sbarrier.arrive $0xFFFF;
	s2 =	simm.s32 @!p0 $0x1C06  }
0x193: {  	[timem:s3], [sflag:s2] =	dma.local @!p0 [hbm:s0], s1  }
0x194: {  	s0 =	simm.s32 @!p0 $0x6  }
0x195: {  	_ =	swait.ge @!p0 [sflag:s0], s1  }
0x196: {  	s1 =	ssub.s32 @!p0 $0x0, s1;
	[sflag:s0] =	ssyncset.done @!p0 $0x0  }
0x197: {  	[sflag:s0] =	ssyncadd.s32 @!p0 s1  }
0x198: {  	[bflag:$0x3] =	sbarrier.arrive $0xFFFF  }
0x199: {  	_ =	shalt  }

</sc_bundles>
